<compile_context>
chip_gen: v7x
topology: tpu7x:2x2x1
jax: 0.10.2.dev20260603
libtpu: 0.0.44.dev20260713+nightly
codegen_flags: <defaults>
</compile_context>

<pallas_src>
import functools

import jax
import jax.numpy as jnp
from jax import lax
from jax.experimental import pallas as pl
from jax.experimental.pallas import tpu as pltpu
from jax.experimental.pallas import tpu_sc as plsc

B, N, D = 16, 50000, 128
M = 2048
NC, NS, L = 2, 16, 16
NW = NC * NS
RPW = (B * M) // NW
GCHUNK = 128
WCHUNK = 128
NG = WCHUNK // GCHUNK
NCH = RPW // WCHUNK
NBUF = 7


@functools.partial(
    pl.kernel,
    mesh=plsc.VectorSubcoreMesh(core_axis_name="c", subcore_axis_name="s"),
    out_type=jax.ShapeDtypeStruct((B * M, D), jnp.float32),
    scratch_types=[
        pltpu.VMEM((RPW,), jnp.int32),
        pltpu.VMEM((NBUF, WCHUNK, D), jnp.float32),
        *([pltpu.SemaphoreType.DMA] * (2 * NBUF)),
    ],
)
def _gather_sc(data_hbm, idx_hbm, out_hbm, idx_v, bufs, *sems):
    gsem, wsem = sems[:NBUF], sems[NBUF:]
    wid = lax.axis_index("s") * NC + lax.axis_index("c")
    base = wid * RPW
    batch = base // M
    half = base % M
    off = batch * N

    pltpu.sync_copy(idx_hbm.at[batch, pl.ds(half, RPW)], idx_v)
    for i in range(RPW // L):
        sl = pl.ds(i * L, L)
        idx_v[sl] = idx_v[sl] + off

    def start_gathers(j):
        b = j % NBUF
        return [
            pltpu.async_copy(
                data_hbm.at[idx_v.at[pl.ds(j * WCHUNK + g * GCHUNK, GCHUNK)]],
                bufs.at[b, pl.ds(g * GCHUNK, GCHUNK)],
                gsem[b],
            )
            for g in range(NG)
        ]

    gd, wd = {}, {}
    for j in range(min(NBUF, NCH)):
        gd[j] = start_gathers(j)
    for j in range(NCH):
        b = j % NBUF
        for g in gd[j]:
            g.wait()
        wd[j] = pltpu.async_copy(
            bufs.at[b], out_hbm.at[pl.ds(base + j * WCHUNK, WCHUNK)], wsem[b]
        )
        if j + NBUF < NCH:
            wd[j].wait()
            gd[j + NBUF] = start_gathers(j + NBUF)
    for j in range(max(0, NCH - NBUF), NCH):
        wd[j].wait()


def kernel(data, indices):
    data_flat = data.reshape(B * N, D)
    out = _gather_sc(data_flat, indices.astype(jnp.int32))
    return out.reshape(B, M, D)

# --- scband reference (transcript-rebuilt; emitter-appended) ---
"""Pipeline reference for scband-gather-indices-63788854281029 (READ-ONLY COPY).

The authoritative reference and input builder live on the scoring server;
editing this copy changes nothing except your own understanding.
"""

import jax, jax.numpy as jnp
import numpy as np


def setup_inputs(seed: int = 0) -> dict:
    key = jax.random.key(seed)
    k1, k2 = jax.random.split(key)
    data = jax.random.normal(k1, (16, 50000, 128), dtype=jnp.float32)
    indices = jax.random.randint(k2, (16, 2048), 0, 50000, dtype=jnp.int64 if jax.config.read('jax_enable_x64') else jnp.int32)
    return {"data": data, "indices": indices}


def reference(data, indices):
    # Faithful translation of tf.gather(data, indices, axis=1, batch_dims=1):
    # out[b, m, :] = data[b, indices[b, m], :]
    out = jnp.take_along_axis(data, indices[:, :, None], axis=1)
    return out

if __name__ == "__main__":
    import jax
    _d = setup_inputs()
    print(jax.jit(kernel)(*tuple(_d.values())))

</pallas_src>

<mosaic_0001>
#map = affine_map<(d0, d1) -> (0, 0)>
module attributes {stable_mosaic.version = 14 : i64} {
  func.func @_gather_sc(%arg0: i32, %arg1: i32, %arg2: memref<800000x128xf32, #tpu.memory_space<hbm>>, %arg3: memref<16x2048xi32, #tpu.memory_space<hbm>>, %arg4: memref<32768x128xf32, #tpu.memory_space<hbm>>, %arg5: memref<1024xi32, #tpu.memory_space<vmem>>, %arg6: memref<7x128x128xf32, #tpu.memory_space<vmem>>, %arg7: memref<!tpu.dma_semaphore, #tpu.memory_space<semaphore_mem>>, %arg8: memref<!tpu.dma_semaphore, #tpu.memory_space<semaphore_mem>>, %arg9: memref<!tpu.dma_semaphore, #tpu.memory_space<semaphore_mem>>, %arg10: memref<!tpu.dma_semaphore, #tpu.memory_space<semaphore_mem>>, %arg11: memref<!tpu.dma_semaphore, #tpu.memory_space<semaphore_mem>>, %arg12: memref<!tpu.dma_semaphore, #tpu.memory_space<semaphore_mem>>, %arg13: memref<!tpu.dma_semaphore, #tpu.memory_space<semaphore_mem>>, %arg14: memref<!tpu.dma_semaphore, #tpu.memory_space<semaphore_mem>>, %arg15: memref<!tpu.dma_semaphore, #tpu.memory_space<semaphore_mem>>, %arg16: memref<!tpu.dma_semaphore, #tpu.memory_space<semaphore_mem>>, %arg17: memref<!tpu.dma_semaphore, #tpu.memory_space<semaphore_mem>>, %arg18: memref<!tpu.dma_semaphore, #tpu.memory_space<semaphore_mem>>, %arg19: memref<!tpu.dma_semaphore, #tpu.memory_space<semaphore_mem>>, %arg20: memref<!tpu.dma_semaphore, #tpu.memory_space<semaphore_mem>>) attributes {dimension_semantics = [#tpu.dimension_semantics<core_parallel>, #tpu.dimension_semantics<subcore_parallel>], iteration_bounds = array<i64: 2, 16>, scalar_prefetch = 0 : i64, scratch_operands = 16 : i64, tpu.core_type = #tpu.core_type<sc_vector_subcore>, window_params = [{transform_indices = #map}, {transform_indices = #map}, {transform_indices = #map}]} {
    %mul3A = arith.constant 2 : i32
    %mul3A_0 = arith.muli %arg1, %mul3A : i32
    %add3A = arith.addi %mul3A_0, %arg0 : i32
    %mul3A_1 = arith.constant 1024 : i32
    %mul3A_2 = arith.muli %add3A, %mul3A_1 : i32
    %jit3A = arith.constant 2048 : i32
    %div3A = arith.divsi %mul3A_2, %jit3A : i32
    %sign3A = arith.constant 0 : i32
    %sign3A_3 = arith.cmpi sgt, %mul3A_2, %sign3A : i32
    %sign3A_4 = arith.extui %sign3A_3 : i1 to i32
    %sign3A_5 = arith.constant 0 : i32
    %sign3A_6 = arith.cmpi slt, %mul3A_2, %sign3A_5 : i32
    %sign3A_7 = arith.extui %sign3A_6 : i1 to i32
    %sign3A_8 = arith.subi %sign3A_4, %sign3A_7 : i32
    %sign3A_9 = arith.constant 0 : i32
    %sign3A_10 = arith.cmpi sgt, %jit3A, %sign3A_9 : i32
    %sign3A_11 = arith.extui %sign3A_10 : i1 to i32
    %sign3A_12 = arith.constant 0 : i32
    %sign3A_13 = arith.cmpi slt, %jit3A, %sign3A_12 : i32
    %sign3A_14 = arith.extui %sign3A_13 : i1 to i32
    %sign3A_15 = arith.subi %sign3A_11, %sign3A_14 : i32
    %ne3A = arith.cmpi ne, %sign3A_8, %sign3A_15 : i32
    %rem3A = arith.remsi %mul3A_2, %jit3A : i32
    %ne3A_16 = arith.constant 0 : i32
    %ne3A_17 = arith.cmpi ne, %rem3A, %ne3A_16 : i32
    %and3A = arith.andi %ne3A, %ne3A_17 : i1
    %sub3A = arith.constant 1 : i32
    %sub3A_18 = arith.subi %div3A, %sub3A : i32
    %select_n3A = arith.select %and3A, %sub3A_18, %div3A : i32
    %jit3A_19 = arith.constant 2048 : i32
    %eq3A = arith.constant 0 : i32
    %eq3A_20 = arith.cmpi eq, %jit3A_19, %eq3A : i32
    %jit3A_21 = arith.constant 1 : i32
    %select_n3A_22 = arith.select %eq3A_20, %jit3A_21, %jit3A_19 : i32
    %rem3A_23 = arith.remsi %mul3A_2, %select_n3A_22 : i32
    %ne3A_24 = arith.constant 0 : i32
    %ne3A_25 = arith.cmpi ne, %rem3A_23, %ne3A_24 : i32
    %lt3A = arith.constant 0 : i32
    %lt3A_26 = arith.cmpi slt, %rem3A_23, %lt3A : i32
    %lt3A_27 = arith.constant 0 : i32
    %lt3A_28 = arith.cmpi slt, %select_n3A_22, %lt3A_27 : i32
    %ne3A_29 = arith.xori %lt3A_26, %lt3A_28 : i1
    %and3A_30 = arith.andi %ne3A_29, %ne3A_25 : i1
    %add3A_31 = arith.addi %rem3A_23, %select_n3A_22 : i32
    %select_n3A_32 = arith.select %and3A_30, %add3A_31, %rem3A_23 : i32
    %mul3A_33 = arith.constant 50000 : i32
    %mul3A_34 = arith.muli %select_n3A, %mul3A_33 : i32
    "tpu.region"() ({
      %run_scoped3A = tpu.sem_alloc : memref<!tpu.dma_semaphore, #tpu.memory_space<semaphore_mem>>
      %dma_start3A_991 = tpu.memref_slice %arg3[%select_n3A, %select_n3A_32] : memref<16x2048xi32, #tpu.memory_space<hbm>> -> memref<1x1024xi32, #tpu.memory_space<hbm>>
      %dma_start3A_992 = tpu.memref_squeeze %dma_start3A_991 : memref<1x1024xi32, #tpu.memory_space<hbm>> -> memref<1024xi32, #tpu.memory_space<hbm>>
      %dma_start3A_993 = tpu.memref_slice %arg3[%select_n3A, %select_n3A_32] : memref<16x2048xi32, #tpu.memory_space<hbm>> -> memref<1x1024xi32, #tpu.memory_space<hbm>>
      %dma_start3A_994 = tpu.memref_squeeze %dma_start3A_993 : memref<1x1024xi32, #tpu.memory_space<hbm>> -> memref<1024xi32, #tpu.memory_space<hbm>>
      tpu.enqueue_dma source(%dma_start3A_994 : memref<1024xi32, #tpu.memory_space<hbm>>) target(%arg5 : memref<1024xi32, #tpu.memory_space<vmem>>) target_semaphore(%run_scoped3A : memref<!tpu.dma_semaphore, #tpu.memory_space<semaphore_mem>>)
      %dma_wait3A_995 = tpu.memref_slice %arg3[%select_n3A, %select_n3A_32] : memref<16x2048xi32, #tpu.memory_space<hbm>> -> memref<1x1024xi32, #tpu.memory_space<hbm>>
      %dma_wait3A_996 = tpu.memref_squeeze %dma_wait3A_995 : memref<1x1024xi32, #tpu.memory_space<hbm>> -> memref<1024xi32, #tpu.memory_space<hbm>>
      %dma_wait3A_997 = tpu.memref_slice %arg3[%select_n3A, %select_n3A_32] : memref<16x2048xi32, #tpu.memory_space<hbm>> -> memref<1x1024xi32, #tpu.memory_space<hbm>>
      %dma_wait3A_998 = tpu.memref_squeeze %dma_wait3A_997 : memref<1x1024xi32, #tpu.memory_space<hbm>> -> memref<1024xi32, #tpu.memory_space<hbm>>
      tpu.wait_dma2 semaphore(%run_scoped3A : memref<!tpu.dma_semaphore, #tpu.memory_space<semaphore_mem>>) src(%dma_wait3A_998 : memref<1024xi32, #tpu.memory_space<hbm>>) dst(%arg5 : memref<1024xi32, #tpu.memory_space<vmem>>)
      tpu.yield
    }) : () -> ()
    %get3A = arith.constant 0 : index
    %get3A_35 = tpu.vector_load %arg5[%get3A] {strides = array<i32>} : memref<1024xi32, #tpu.memory_space<vmem>>, vector<16xi32>,
    %get3A_36 = vector.shape_cast %get3A_35 : vector<16xi32> to vector<16xi32>
    %add3A_37 = vector.broadcast %mul3A_34 : i32 to vector<16xi32>
    %add3A_38 = arith.addi %get3A_36, %add3A_37 : vector<16xi32>
    %swap3A = arith.constant 0 : index
    %swap3A_39 = tpu.vector_load %arg5[%swap3A] {strides = array<i32>} : memref<1024xi32, #tpu.memory_space<vmem>>, vector<16xi32>,
    %swap3A_40 = vector.shape_cast %swap3A_39 : vector<16xi32> to vector<16xi32>
    %swap3A_41 = vector.shape_cast %add3A_38 : vector<16xi32> to vector<16xi32>
    tpu.vector_store %arg5[%swap3A], %swap3A_41 {strides = array<i32>} : memref<1024xi32, #tpu.memory_space<vmem>>, vector<16xi32>,
    %get3A_42 = arith.constant 16 : index
    %get3A_43 = tpu.vector_load %arg5[%get3A_42] {strides = array<i32>} : memref<1024xi32, #tpu.memory_space<vmem>>, vector<16xi32>,
    %get3A_44 = vector.shape_cast %get3A_43 : vector<16xi32> to vector<16xi32>
    %add3A_45 = vector.broadcast %mul3A_34 : i32 to vector<16xi32>
    %add3A_46 = arith.addi %get3A_44, %add3A_45 : vector<16xi32>
    %swap3A_47 = arith.constant 16 : index
    %swap3A_48 = tpu.vector_load %arg5[%swap3A_47] {strides = array<i32>} : memref<1024xi32, #tpu.memory_space<vmem>>, vector<16xi32>,
    %swap3A_49 = vector.shape_cast %swap3A_48 : vector<16xi32> to vector<16xi32>
    %swap3A_50 = vector.shape_cast %add3A_46 : vector<16xi32> to vector<16xi32>
    tpu.vector_store %arg5[%swap3A_47], %swap3A_50 {strides = array<i32>} : memref<1024xi32, #tpu.memory_space<vmem>>, vector<16xi32>,
    %get3A_51 = arith.constant 32 : index
    %get3A_52 = tpu.vector_load %arg5[%get3A_51] {strides = array<i32>} : memref<1024xi32, #tpu.memory_space<vmem>>, vector<16xi32>,
    %get3A_53 = vector.shape_cast %get3A_52 : vector<16xi32> to vector<16xi32>
    %add3A_54 = vector.broadcast %mul3A_34 : i32 to vector<16xi32>
    %add3A_55 = arith.addi %get3A_53, %add3A_54 : vector<16xi32>
    %swap3A_56 = arith.constant 32 : index
    %swap3A_57 = tpu.vector_load %arg5[%swap3A_56] {strides = array<i32>} : memref<1024xi32, #tpu.memory_space<vmem>>, vector<16xi32>,
    %swap3A_58 = vector.shape_cast %swap3A_57 : vector<16xi32> to vector<16xi32>
    %swap3A_59 = vector.shape_cast %add3A_55 : vector<16xi32> to vector<16xi32>
    tpu.vector_store %arg5[%swap3A_56], %swap3A_59 {strides = array<i32>} : memref<1024xi32, #tpu.memory_space<vmem>>, vector<16xi32>,
    %get3A_60 = arith.constant 48 : index
    %get3A_61 = tpu.vector_load %arg5[%get3A_60] {strides = array<i32>} : memref<1024xi32, #tpu.memory_space<vmem>>, vector<16xi32>,
    %get3A_62 = vector.shape_cast %get3A_61 : vector<16xi32> to vector<16xi32>
    %add3A_63 = vector.broadcast %mul3A_34 : i32 to vector<16xi32>
    %add3A_64 = arith.addi %get3A_62, %add3A_63 : vector<16xi32>
    %swap3A_65 = arith.constant 48 : index
    %swap3A_66 = tpu.vector_load %arg5[%swap3A_65] {strides = array<i32>} : memref<1024xi32, #tpu.memory_space<vmem>>, vector<16xi32>,
    %swap3A_67 = vector.shape_cast %swap3A_66 : vector<16xi32> to vector<16xi32>
    %swap3A_68 = vector.shape_cast %add3A_64 : vector<16xi32> to vector<16xi32>
    tpu.vector_store %arg5[%swap3A_65], %swap3A_68 {strides = array<i32>} : memref<1024xi32, #tpu.memory_space<vmem>>, vector<16xi32>,
    %get3A_69 = arith.constant 64 : index
    %get3A_70 = tpu.vector_load %arg5[%get3A_69] {strides = array<i32>} : memref<1024xi32, #tpu.memory_space<vmem>>, vector<16xi32>,
    %get3A_71 = vector.shape_cast %get3A_70 : vector<16xi32> to vector<16xi32>
    %add3A_72 = vector.broadcast %mul3A_34 : i32 to vector<16xi32>
    %add3A_73 = arith.addi %get3A_71, %add3A_72 : vector<16xi32>
    %swap3A_74 = arith.constant 64 : index
    %swap3A_75 = tpu.vector_load %arg5[%swap3A_74] {strides = array<i32>} : memref<1024xi32, #tpu.memory_space<vmem>>, vector<16xi32>,
    %swap3A_76 = vector.shape_cast %swap3A_75 : vector<16xi32> to vector<16xi32>
    %swap3A_77 = vector.shape_cast %add3A_73 : vector<16xi32> to vector<16xi32>
    tpu.vector_store %arg5[%swap3A_74], %swap3A_77 {strides = array<i32>} : memref<1024xi32, #tpu.memory_space<vmem>>, vector<16xi32>,
    %get3A_78 = arith.constant 80 : index
    %get3A_79 = tpu.vector_load %arg5[%get3A_78] {strides = array<i32>} : memref<1024xi32, #tpu.memory_space<vmem>>, vector<16xi32>,
    %get3A_80 = vector.shape_cast %get3A_79 : vector<16xi32> to vector<16xi32>
    %add3A_81 = vector.broadcast %mul3A_34 : i32 to vector<16xi32>
    %add3A_82 = arith.addi %get3A_80, %add3A_81 : vector<16xi32>
    %swap3A_83 = arith.constant 80 : index
    %swap3A_84 = tpu.vector_load %arg5[%swap3A_83] {strides = array<i32>} : memref<1024xi32, #tpu.memory_space<vmem>>, vector<16xi32>,
    %swap3A_85 = vector.shape_cast %swap3A_84 : vector<16xi32> to vector<16xi32>
    %swap3A_86 = vector.shape_cast %add3A_82 : vector<16xi32> to vector<16xi32>
    tpu.vector_store %arg5[%swap3A_83], %swap3A_86 {strides = array<i32>} : memref<1024xi32, #tpu.memory_space<vmem>>, vector<16xi32>,
    %get3A_87 = arith.constant 96 : index
    %get3A_88 = tpu.vector_load %arg5[%get3A_87] {strides = array<i32>} : memref<1024xi32, #tpu.memory_space<vmem>>, vector<16xi32>,
    %get3A_89 = vector.shape_cast %get3A_88 : vector<16xi32> to vector<16xi32>
    %add3A_90 = vector.broadcast %mul3A_34 : i32 to vector<16xi32>
    %add3A_91 = arith.addi %get3A_89, %add3A_90 : vector<16xi32>
    %swap3A_92 = arith.constant 96 : index
    %swap3A_93 = tpu.vector_load %arg5[%swap3A_92] {strides = array<i32>} : memref<1024xi32, #tpu.memory_space<vmem>>, vector<16xi32>,
    %swap3A_94 = vector.shape_cast %swap3A_93 : vector<16xi32> to vector<16xi32>
    %swap3A_95 = vector.shape_cast %add3A_91 : vector<16xi32> to vector<16xi32>
    tpu.vector_store %arg5[%swap3A_92], %swap3A_95 {strides = array<i32>} : memref<1024xi32, #tpu.memory_space<vmem>>, vector<16xi32>,
    %get3A_96 = arith.constant 112 : index
    %get3A_97 = tpu.vector_load %arg5[%get3A_96] {strides = array<i32>} : memref<1024xi32, #tpu.memory_space<vmem>>, vector<16xi32>,
    %get3A_98 = vector.shape_cast %get3A_97 : vector<16xi32> to vector<16xi32>
    %add3A_99 = vector.broadcast %mul3A_34 : i32 to vector<16xi32>
    %add3A_100 = arith.addi %get3A_98, %add3A_99 : vector<16xi32>
    %swap3A_101 = arith.constant 112 : index
    %swap3A_102 = tpu.vector_load %arg5[%swap3A_101] {strides = array<i32>} : memref<1024xi32, #tpu.memory_space<vmem>>, vector<16xi32>,
    %swap3A_103 = vector.shape_cast %swap3A_102 : vector<16xi32> to vector<16xi32>
    %swap3A_104 = vector.shape_cast %add3A_100 : vector<16xi32> to vector<16xi32>
    tpu.vector_store %arg5[%swap3A_101], %swap3A_104 {strides = array<i32>} : memref<1024xi32, #tpu.memory_space<vmem>>, vector<16xi32>,
    %get3A_105 = arith.constant 128 : index
    %get3A_106 = tpu.vector_load %arg5[%get3A_105] {strides = array<i32>} : memref<1024xi32, #tpu.memory_space<vmem>>, vector<16xi32>,
    %get3A_107 = vector.shape_cast %get3A_106 : vector<16xi32> to vector<16xi32>
    %add3A_108 = vector.broadcast %mul3A_34 : i32 to vector<16xi32>
    %add3A_109 = arith.addi %get3A_107, %add3A_108 : vector<16xi32>
    %swap3A_110 = arith.constant 128 : index
    %swap3A_111 = tpu.vector_load %arg5[%swap3A_110] {strides = array<i32>} : memref<1024xi32, #tpu.memory_space<vmem>>, vector<16xi32>,
    %swap3A_112 = vector.shape_cast %swap3A_111 : vector<16xi32> to vector<16xi32>
    %swap3A_113 = vector.shape_cast %add3A_109 : vector<16xi32> to vector<16xi32>
    tpu.vector_store %arg5[%swap3A_110], %swap3A_113 {strides = array<i32>} : memref<1024xi32, #tpu.memory_space<vmem>>, vector<16xi32>,
    %get3A_114 = arith.constant 144 : index
    %get3A_115 = tpu.vector_load %arg5[%get3A_114] {strides = array<i32>} : memref<1024xi32, #tpu.memory_space<vmem>>, vector<16xi32>,
    %get3A_116 = vector.shape_cast %get3A_115 : vector<16xi32> to vector<16xi32>
    %add3A_117 = vector.broadcast %mul3A_34 : i32 to vector<16xi32>
    %add3A_118 = arith.addi %get3A_116, %add3A_117 : vector<16xi32>
    %swap3A_119 = arith.constant 144 : index
    %swap3A_120 = tpu.vector_load %arg5[%swap3A_119] {strides = array<i32>} : memref<1024xi32, #tpu.memory_space<vmem>>, vector<16xi32>,
    %swap3A_121 = vector.shape_cast %swap3A_120 : vector<16xi32> to vector<16xi32>
    %swap3A_122 = vector.shape_cast %add3A_118 : vector<16xi32> to vector<16xi32>
    tpu.vector_store %arg5[%swap3A_119], %swap3A_122 {strides = array<i32>} : memref<1024xi32, #tpu.memory_space<vmem>>, vector<16xi32>,
    %get3A_123 = arith.constant 160 : index
    %get3A_124 = tpu.vector_load %arg5[%get3A_123] {strides = array<i32>} : memref<1024xi32, #tpu.memory_space<vmem>>, vector<16xi32>,
    %get3A_125 = vector.shape_cast %get3A_124 : vector<16xi32> to vector<16xi32>
    %add3A_126 = vector.broadcast %mul3A_34 : i32 to vector<16xi32>
    %add3A_127 = arith.addi %get3A_125, %add3A_126 : vector<16xi32>
    %swap3A_128 = arith.constant 160 : index
    %swap3A_129 = tpu.vector_load %arg5[%swap3A_128] {strides = array<i32>} : memref<1024xi32, #tpu.memory_space<vmem>>, vector<16xi32>,
    %swap3A_130 = vector.shape_cast %swap3A_129 : vector<16xi32> to vector<16xi32>
    %swap3A_131 = vector.shape_cast %add3A_127 : vector<16xi32> to vector<16xi32>
    tpu.vector_store %arg5[%swap3A_128], %swap3A_131 {strides = array<i32>} : memref<1024xi32, #tpu.memory_space<vmem>>, vector<16xi32>,
    %get3A_132 = arith.constant 176 : index
    %get3A_133 = tpu.vector_load %arg5[%get3A_132] {strides = array<i32>} : memref<1024xi32, #tpu.memory_space<vmem>>, vector<16xi32>,
    %get3A_134 = vector.shape_cast %get3A_133 : vector<16xi32> to vector<16xi32>
    %add3A_135 = vector.broadcast %mul3A_34 : i32 to vector<16xi32>
    %add3A_136 = arith.addi %get3A_134, %add3A_135 : vector<16xi32>
    %swap3A_137 = arith.constant 176 : index
    %swap3A_138 = tpu.vector_load %arg5[%swap3A_137] {strides = array<i32>} : memref<1024xi32, #tpu.memory_space<vmem>>, vector<16xi32>,
    %swap3A_139 = vector.shape_cast %swap3A_138 : vector<16xi32> to vector<16xi32>
    %swap3A_140 = vector.shape_cast %add3A_136 : vector<16xi32> to vector<16xi32>
    tpu.vector_store %arg5[%swap3A_137], %swap3A_140 {strides = array<i32>} : memref<1024xi32, #tpu.memory_space<vmem>>, vector<16xi32>,
    %get3A_141 = arith.constant 192 : index
    %get3A_142 = tpu.vector_load %arg5[%get3A_141] {strides = array<i32>} : memref<1024xi32, #tpu.memory_space<vmem>>, vector<16xi32>,
    %get3A_143 = vector.shape_cast %get3A_142 : vector<16xi32> to vector<16xi32>
    %add3A_144 = vector.broadcast %mul3A_34 : i32 to vector<16xi32>
    %add3A_145 = arith.addi %get3A_143, %add3A_144 : vector<16xi32>
    %swap3A_146 = arith.constant 192 : index
    %swap3A_147 = tpu.vector_load %arg5[%swap3A_146] {strides = array<i32>} : memref<1024xi32, #tpu.memory_space<vmem>>, vector<16xi32>,
    %swap3A_148 = vector.shape_cast %swap3A_147 : vector<16xi32> to vector<16xi32>
    %swap3A_149 = vector.shape_cast %add3A_145 : vector<16xi32> to vector<16xi32>
    tpu.vector_store %arg5[%swap3A_146], %swap3A_149 {strides = array<i32>} : memref<1024xi32, #tpu.memory_space<vmem>>, vector<16xi32>,
    %get3A_150 = arith.constant 208 : index
    %get3A_151 = tpu.vector_load %arg5[%get3A_150] {strides = array<i32>} : memref<1024xi32, #tpu.memory_space<vmem>>, vector<16xi32>,
    %get3A_152 = vector.shape_cast %get3A_151 : vector<16xi32> to vector<16xi32>
    %add3A_153 = vector.broadcast %mul3A_34 : i32 to vector<16xi32>
    %add3A_154 = arith.addi %get3A_152, %add3A_153 : vector<16xi32>
    %swap3A_155 = arith.constant 208 : index
    %swap3A_156 = tpu.vector_load %arg5[%swap3A_155] {strides = array<i32>} : memref<1024xi32, #tpu.memory_space<vmem>>, vector<16xi32>,
    %swap3A_157 = vector.shape_cast %swap3A_156 : vector<16xi32> to vector<16xi32>
    %swap3A_158 = vector.shape_cast %add3A_154 : vector<16xi32> to vector<16xi32>
    tpu.vector_store %arg5[%swap3A_155], %swap3A_158 {strides = array<i32>} : memref<1024xi32, #tpu.memory_space<vmem>>, vector<16xi32>,
    %get3A_159 = arith.constant 224 : index
    %get3A_160 = tpu.vector_load %arg5[%get3A_159] {strides = array<i32>} : memref<1024xi32, #tpu.memory_space<vmem>>, vector<16xi32>,
    %get3A_161 = vector.shape_cast %get3A_160 : vector<16xi32> to vector<16xi32>
    %add3A_162 = vector.broadcast %mul3A_34 : i32 to vector<16xi32>
    %add3A_163 = arith.addi %get3A_161, %add3A_162 : vector<16xi32>
    %swap3A_164 = arith.constant 224 : index
    %swap3A_165 = tpu.vector_load %arg5[%swap3A_164] {strides = array<i32>} : memref<1024xi32, #tpu.memory_space<vmem>>, vector<16xi32>,
    %swap3A_166 = vector.shape_cast %swap3A_165 : vector<16xi32> to vector<16xi32>
    %swap3A_167 = vector.shape_cast %add3A_163 : vector<16xi32> to vector<16xi32>
    tpu.vector_store %arg5[%swap3A_164], %swap3A_167 {strides = array<i32>} : memref<1024xi32, #tpu.memory_space<vmem>>, vector<16xi32>,
    %get3A_168 = arith.constant 240 : index
    %get3A_169 = tpu.vector_load %arg5[%get3A_168] {strides = array<i32>} : memref<1024xi32, #tpu.memory_space<vmem>>, vector<16xi32>,
    %get3A_170 = vector.shape_cast %get3A_169 : vector<16xi32> to vector<16xi32>
    %add3A_171 = vector.broadcast %mul3A_34 : i32 to vector<16xi32>
    %add3A_172 = arith.addi %get3A_170, %add3A_171 : vector<16xi32>
    %swap3A_173 = arith.constant 240 : index
    %swap3A_174 = tpu.vector_load %arg5[%swap3A_173] {strides = array<i32>} : memref<1024xi32, #tpu.memory_space<vmem>>, vector<16xi32>,
    %swap3A_175 = vector.shape_cast %swap3A_174 : vector<16xi32> to vector<16xi32>
    %swap3A_176 = vector.shape_cast %add3A_172 : vector<16xi32> to vector<16xi32>
    tpu.vector_store %arg5[%swap3A_173], %swap3A_176 {strides = array<i32>} : memref<1024xi32, #tpu.memory_space<vmem>>, vector<16xi32>,
    %get3A_177 = arith.constant 256 : index
    %get3A_178 = tpu.vector_load %arg5[%get3A_177] {strides = array<i32>} : memref<1024xi32, #tpu.memory_space<vmem>>, vector<16xi32>,
    %get3A_179 = vector.shape_cast %get3A_178 : vector<16xi32> to vector<16xi32>
    %add3A_180 = vector.broadcast %mul3A_34 : i32 to vector<16xi32>
    %add3A_181 = arith.addi %get3A_179, %add3A_180 : vector<16xi32>
    %swap3A_182 = arith.constant 256 : index
    %swap3A_183 = tpu.vector_load %arg5[%swap3A_182] {strides = array<i32>} : memref<1024xi32, #tpu.memory_space<vmem>>, vector<16xi32>,
    %swap3A_184 = vector.shape_cast %swap3A_183 : vector<16xi32> to vector<16xi32>
    %swap3A_185 = vector.shape_cast %add3A_181 : vector<16xi32> to vector<16xi32>
    tpu.vector_store %arg5[%swap3A_182], %swap3A_185 {strides = array<i32>} : memref<1024xi32, #tpu.memory_space<vmem>>, vector<16xi32>,
    %get3A_186 = arith.constant 272 : index
    %get3A_187 = tpu.vector_load %arg5[%get3A_186] {strides = array<i32>} : memref<1024xi32, #tpu.memory_space<vmem>>, vector<16xi32>,
    %get3A_188 = vector.shape_cast %get3A_187 : vector<16xi32> to vector<16xi32>
    %add3A_189 = vector.broadcast %mul3A_34 : i32 to vector<16xi32>
    %add3A_190 = arith.addi %get3A_188, %add3A_189 : vector<16xi32>
    %swap3A_191 = arith.constant 272 : index
    %swap3A_192 = tpu.vector_load %arg5[%swap3A_191] {strides = array<i32>} : memref<1024xi32, #tpu.memory_space<vmem>>, vector<16xi32>,
    %swap3A_193 = vector.shape_cast %swap3A_192 : vector<16xi32> to vector<16xi32>
    %swap3A_194 = vector.shape_cast %add3A_190 : vector<16xi32> to vector<16xi32>
    tpu.vector_store %arg5[%swap3A_191], %swap3A_194 {strides = array<i32>} : memref<1024xi32, #tpu.memory_space<vmem>>, vector<16xi32>,
    %get3A_195 = arith.constant 288 : index
    %get3A_196 = tpu.vector_load %arg5[%get3A_195] {strides = array<i32>} : memref<1024xi32, #tpu.memory_space<vmem>>, vector<16xi32>,
    %get3A_197 = vector.shape_cast %get3A_196 : vector<16xi32> to vector<16xi32>
    %add3A_198 = vector.broadcast %mul3A_34 : i32 to vector<16xi32>
    %add3A_199 = arith.addi %get3A_197, %add3A_198 : vector<16xi32>
    %swap3A_200 = arith.constant 288 : index
    %swap3A_201 = tpu.vector_load %arg5[%swap3A_200] {strides = array<i32>} : memref<1024xi32, #tpu.memory_space<vmem>>, vector<16xi32>,
    %swap3A_202 = vector.shape_cast %swap3A_201 : vector<16xi32> to vector<16xi32>
    %swap3A_203 = vector.shape_cast %add3A_199 : vector<16xi32> to vector<16xi32>
    tpu.vector_store %arg5[%swap3A_200], %swap3A_203 {strides = array<i32>} : memref<1024xi32, #tpu.memory_space<vmem>>, vector<16xi32>,
    %get3A_204 = arith.constant 304 : index
    %get3A_205 = tpu.vector_load %arg5[%get3A_204] {strides = array<i32>} : memref<1024xi32, #tpu.memory_space<vmem>>, vector<16xi32>,
    %get3A_206 = vector.shape_cast %get3A_205 : vector<16xi32> to vector<16xi32>
    %add3A_207 = vector.broadcast %mul3A_34 : i32 to vector<16xi32>
    %add3A_208 = arith.addi %get3A_206, %add3A_207 : vector<16xi32>
    %swap3A_209 = arith.constant 304 : index
    %swap3A_210 = tpu.vector_load %arg5[%swap3A_209] {strides = array<i32>} : memref<1024xi32, #tpu.memory_space<vmem>>, vector<16xi32>,
    %swap3A_211 = vector.shape_cast %swap3A_210 : vector<16xi32> to vector<16xi32>
    %swap3A_212 = vector.shape_cast %add3A_208 : vector<16xi32> to vector<16xi32>
    tpu.vector_store %arg5[%swap3A_209], %swap3A_212 {strides = array<i32>} : memref<1024xi32, #tpu.memory_space<vmem>>, vector<16xi32>,
    %get3A_213 = arith.constant 320 : index
    %get3A_214 = tpu.vector_load %arg5[%get3A_213] {strides = array<i32>} : memref<1024xi32, #tpu.memory_space<vmem>>, vector<16xi32>,
    %get3A_215 = vector.shape_cast %get3A_214 : vector<16xi32> to vector<16xi32>
    %add3A_216 = vector.broadcast %mul3A_34 : i32 to vector<16xi32>
    %add3A_217 = arith.addi %get3A_215, %add3A_216 : vector<16xi32>
    %swap3A_218 = arith.constant 320 : index
    %swap3A_219 = tpu.vector_load %arg5[%swap3A_218] {strides = array<i32>} : memref<1024xi32, #tpu.memory_space<vmem>>, vector<16xi32>,
    %swap3A_220 = vector.shape_cast %swap3A_219 : vector<16xi32> to vector<16xi32>
    %swap3A_221 = vector.shape_cast %add3A_217 : vector<16xi32> to vector<16xi32>
    tpu.vector_store %arg5[%swap3A_218], %swap3A_221 {strides = array<i32>} : memref<1024xi32, #tpu.memory_space<vmem>>, vector<16xi32>,
    %get3A_222 = arith.constant 336 : index
    %get3A_223 = tpu.vector_load %arg5[%get3A_222] {strides = array<i32>} : memref<1024xi32, #tpu.memory_space<vmem>>, vector<16xi32>,
    %get3A_224 = vector.shape_cast %get3A_223 : vector<16xi32> to vector<16xi32>
    %add3A_225 = vector.broadcast %mul3A_34 : i32 to vector<16xi32>
    %add3A_226 = arith.addi %get3A_224, %add3A_225 : vector<16xi32>
    %swap3A_227 = arith.constant 336 : index
    %swap3A_228 = tpu.vector_load %arg5[%swap3A_227] {strides = array<i32>} : memref<1024xi32, #tpu.memory_space<vmem>>, vector<16xi32>,
    %swap3A_229 = vector.shape_cast %swap3A_228 : vector<16xi32> to vector<16xi32>
    %swap3A_230 = vector.shape_cast %add3A_226 : vector<16xi32> to vector<16xi32>
    tpu.vector_store %arg5[%swap3A_227], %swap3A_230 {strides = array<i32>} : memref<1024xi32, #tpu.memory_space<vmem>>, vector<16xi32>,
    %get3A_231 = arith.constant 352 : index
    %get3A_232 = tpu.vector_load %arg5[%get3A_231] {strides = array<i32>} : memref<1024xi32, #tpu.memory_space<vmem>>, vector<16xi32>,
    %get3A_233 = vector.shape_cast %get3A_232 : vector<16xi32> to vector<16xi32>
    %add3A_234 = vector.broadcast %mul3A_34 : i32 to vector<16xi32>
    %add3A_235 = arith.addi %get3A_233, %add3A_234 : vector<16xi32>
    %swap3A_236 = arith.constant 352 : index
    %swap3A_237 = tpu.vector_load %arg5[%swap3A_236] {strides = array<i32>} : memref<1024xi32, #tpu.memory_space<vmem>>, vector<16xi32>,
    %swap3A_238 = vector.shape_cast %swap3A_237 : vector<16xi32> to vector<16xi32>
    %swap3A_239 = vector.shape_cast %add3A_235 : vector<16xi32> to vector<16xi32>
    tpu.vector_store %arg5[%swap3A_236], %swap3A_239 {strides = array<i32>} : memref<1024xi32, #tpu.memory_space<vmem>>, vector<16xi32>,
    %get3A_240 = arith.constant 368 : index
    %get3A_241 = tpu.vector_load %arg5[%get3A_240] {strides = array<i32>} : memref<1024xi32, #tpu.memory_space<vmem>>, vector<16xi32>,
    %get3A_242 = vector.shape_cast %get3A_241 : vector<16xi32> to vector<16xi32>
    %add3A_243 = vector.broadcast %mul3A_34 : i32 to vector<16xi32>
    %add3A_244 = arith.addi %get3A_242, %add3A_243 : vector<16xi32>
    %swap3A_245 = arith.constant 368 : index
    %swap3A_246 = tpu.vector_load %arg5[%swap3A_245] {strides = array<i32>} : memref<1024xi32, #tpu.memory_space<vmem>>, vector<16xi32>,
    %swap3A_247 = vector.shape_cast %swap3A_246 : vector<16xi32> to vector<16xi32>
    %swap3A_248 = vector.shape_cast %add3A_244 : vector<16xi32> to vector<16xi32>
    tpu.vector_store %arg5[%swap3A_245], %swap3A_248 {strides = array<i32>} : memref<1024xi32, #tpu.memory_space<vmem>>, vector<16xi32>,
    %get3A_249 = arith.constant 384 : index
    %get3A_250 = tpu.vector_load %arg5[%get3A_249] {strides = array<i32>} : memref<1024xi32, #tpu.memory_space<vmem>>, vector<16xi32>,
    %get3A_251 = vector.shape_cast %get3A_250 : vector<16xi32> to vector<16xi32>
    %add3A_252 = vector.broadcast %mul3A_34 : i32 to vector<16xi32>
    %add3A_253 = arith.addi %get3A_251, %add3A_252 : vector<16xi32>
    %swap3A_254 = arith.constant 384 : index
    %swap3A_255 = tpu.vector_load %arg5[%swap3A_254] {strides = array<i32>} : memref<1024xi32, #tpu.memory_space<vmem>>, vector<16xi32>,
    %swap3A_256 = vector.shape_cast %swap3A_255 : vector<16xi32> to vector<16xi32>
    %swap3A_257 = vector.shape_cast %add3A_253 : vector<16xi32> to vector<16xi32>
    tpu.vector_store %arg5[%swap3A_254], %swap3A_257 {strides = array<i32>} : memref<1024xi32, #tpu.memory_space<vmem>>, vector<16xi32>,
    %get3A_258 = arith.constant 400 : index
    %get3A_259 = tpu.vector_load %arg5[%get3A_258] {strides = array<i32>} : memref<1024xi32, #tpu.memory_space<vmem>>, vector<16xi32>,
    %get3A_260 = vector.shape_cast %get3A_259 : vector<16xi32> to vector<16xi32>
    %add3A_261 = vector.broadcast %mul3A_34 : i32 to vector<16xi32>
    %add3A_262 = arith.addi %get3A_260, %add3A_261 : vector<16xi32>
    %swap3A_263 = arith.constant 400 : index
    %swap3A_264 = tpu.vector_load %arg5[%swap3A_263] {strides = array<i32>} : memref<1024xi32, #tpu.memory_space<vmem>>, vector<16xi32>,
    %swap3A_265 = vector.shape_cast %swap3A_264 : vector<16xi32> to vector<16xi32>
    %swap3A_266 = vector.shape_cast %add3A_262 : vector<16xi32> to vector<16xi32>
    tpu.vector_store %arg5[%swap3A_263], %swap3A_266 {strides = array<i32>} : memref<1024xi32, #tpu.memory_space<vmem>>, vector<16xi32>,
    %get3A_267 = arith.constant 416 : index
    %get3A_268 = tpu.vector_load %arg5[%get3A_267] {strides = array<i32>} : memref<1024xi32, #tpu.memory_space<vmem>>, vector<16xi32>,
    %get3A_269 = vector.shape_cast %get3A_268 : vector<16xi32> to vector<16xi32>
    %add3A_270 = vector.broadcast %mul3A_34 : i32 to vector<16xi32>
    %add3A_271 = arith.addi %get3A_269, %add3A_270 : vector<16xi32>
    %swap3A_272 = arith.constant 416 : index
    %swap3A_273 = tpu.vector_load %arg5[%swap3A_272] {strides = array<i32>} : memref<1024xi32, #tpu.memory_space<vmem>>, vector<16xi32>,
    %swap3A_274 = vector.shape_cast %swap3A_273 : vector<16xi32> to vector<16xi32>
    %swap3A_275 = vector.shape_cast %add3A_271 : vector<16xi32> to vector<16xi32>
    tpu.vector_store %arg5[%swap3A_272], %swap3A_275 {strides = array<i32>} : memref<1024xi32, #tpu.memory_space<vmem>>, vector<16xi32>,
    %get3A_276 = arith.constant 432 : index
    %get3A_277 = tpu.vector_load %arg5[%get3A_276] {strides = array<i32>} : memref<1024xi32, #tpu.memory_space<vmem>>, vector<16xi32>,
    %get3A_278 = vector.shape_cast %get3A_277 : vector<16xi32> to vector<16xi32>
    %add3A_279 = vector.broadcast %mul3A_34 : i32 to vector<16xi32>
    %add3A_280 = arith.addi %get3A_278, %add3A_279 : vector<16xi32>
    %swap3A_281 = arith.constant 432 : index
    %swap3A_282 = tpu.vector_load %arg5[%swap3A_281] {strides = array<i32>} : memref<1024xi32, #tpu.memory_space<vmem>>, vector<16xi32>,
    %swap3A_283 = vector.shape_cast %swap3A_282 : vector<16xi32> to vector<16xi32>
    %swap3A_284 = vector.shape_cast %add3A_280 : vector<16xi32> to vector<16xi32>
    tpu.vector_store %arg5[%swap3A_281], %swap3A_284 {strides = array<i32>} : memref<1024xi32, #tpu.memory_space<vmem>>, vector<16xi32>,
    %get3A_285 = arith.constant 448 : index
    %get3A_286 = tpu.vector_load %arg5[%get3A_285] {strides = array<i32>} : memref<1024xi32, #tpu.memory_space<vmem>>, vector<16xi32>,
    %get3A_287 = vector.shape_cast %get3A_286 : vector<16xi32> to vector<16xi32>
    %add3A_288 = vector.broadcast %mul3A_34 : i32 to vector<16xi32>
    %add3A_289 = arith.addi %get3A_287, %add3A_288 : vector<16xi32>
    %swap3A_290 = arith.constant 448 : index
    %swap3A_291 = tpu.vector_load %arg5[%swap3A_290] {strides = array<i32>} : memref<1024xi32, #tpu.memory_space<vmem>>, vector<16xi32>,
    %swap3A_292 = vector.shape_cast %swap3A_291 : vector<16xi32> to vector<16xi32>
    %swap3A_293 = vector.shape_cast %add3A_289 : vector<16xi32> to vector<16xi32>
    tpu.vector_store %arg5[%swap3A_290], %swap3A_293 {strides = array<i32>} : memref<1024xi32, #tpu.memory_space<vmem>>, vector<16xi32>,
    %get3A_294 = arith.constant 464 : index
    %get3A_295 = tpu.vector_load %arg5[%get3A_294] {strides = array<i32>} : memref<1024xi32, #tpu.memory_space<vmem>>, vector<16xi32>,
    %get3A_296 = vector.shape_cast %get3A_295 : vector<16xi32> to vector<16xi32>
    %add3A_297 = vector.broadcast %mul3A_34 : i32 to vector<16xi32>
    %add3A_298 = arith.addi %get3A_296, %add3A_297 : vector<16xi32>
    %swap3A_299 = arith.constant 464 : index
    %swap3A_300 = tpu.vector_load %arg5[%swap3A_299] {strides = array<i32>} : memref<1024xi32, #tpu.memory_space<vmem>>, vector<16xi32>,
    %swap3A_301 = vector.shape_cast %swap3A_300 : vector<16xi32> to vector<16xi32>
    %swap3A_302 = vector.shape_cast %add3A_298 : vector<16xi32> to vector<16xi32>
    tpu.vector_store %arg5[%swap3A_299], %swap3A_302 {strides = array<i32>} : memref<1024xi32, #tpu.memory_space<vmem>>, vector<16xi32>,
    %get3A_303 = arith.constant 480 : index
    %get3A_304 = tpu.vector_load %arg5[%get3A_303] {strides = array<i32>} : memref<1024xi32, #tpu.memory_space<vmem>>, vector<16xi32>,
    %get3A_305 = vector.shape_cast %get3A_304 : vector<16xi32> to vector<16xi32>
    %add3A_306 = vector.broadcast %mul3A_34 : i32 to vector<16xi32>
    %add3A_307 = arith.addi %get3A_305, %add3A_306 : vector<16xi32>
    %swap3A_308 = arith.constant 480 : index
    %swap3A_309 = tpu.vector_load %arg5[%swap3A_308] {strides = array<i32>} : memref<1024xi32, #tpu.memory_space<vmem>>, vector<16xi32>,
    %swap3A_310 = vector.shape_cast %swap3A_309 : vector<16xi32> to vector<16xi32>
    %swap3A_311 = vector.shape_cast %add3A_307 : vector<16xi32> to vector<16xi32>
    tpu.vector_store %arg5[%swap3A_308], %swap3A_311 {strides = array<i32>} : memref<1024xi32, #tpu.memory_space<vmem>>, vector<16xi32>,
    %get3A_312 = arith.constant 496 : index
    %get3A_313 = tpu.vector_load %arg5[%get3A_312] {strides = array<i32>} : memref<1024xi32, #tpu.memory_space<vmem>>, vector<16xi32>,
    %get3A_314 = vector.shape_cast %get3A_313 : vector<16xi32> to vector<16xi32>
    %add3A_315 = vector.broadcast %mul3A_34 : i32 to vector<16xi32>
    %add3A_316 = arith.addi %get3A_314, %add3A_315 : vector<16xi32>
    %swap3A_317 = arith.constant 496 : index
    %swap3A_318 = tpu.vector_load %arg5[%swap3A_317] {strides = array<i32>} : memref<1024xi32, #tpu.memory_space<vmem>>, vector<16xi32>,
    %swap3A_319 = vector.shape_cast %swap3A_318 : vector<16xi32> to vector<16xi32>
    %swap3A_320 = vector.shape_cast %add3A_316 : vector<16xi32> to vector<16xi32>
    tpu.vector_store %arg5[%swap3A_317], %swap3A_320 {strides = array<i32>} : memref<1024xi32, #tpu.memory_space<vmem>>, vector<16xi32>,
    %get3A_321 = arith.constant 512 : index
    %get3A_322 = tpu.vector_load %arg5[%get3A_321] {strides = array<i32>} : memref<1024xi32, #tpu.memory_space<vmem>>, vector<16xi32>,
    %get3A_323 = vector.shape_cast %get3A_322 : vector<16xi32> to vector<16xi32>
    %add3A_324 = vector.broadcast %mul3A_34 : i32 to vector<16xi32>
    %add3A_325 = arith.addi %get3A_323, %add3A_324 : vector<16xi32>
    %swap3A_326 = arith.constant 512 : index
    %swap3A_327 = tpu.vector_load %arg5[%swap3A_326] {strides = array<i32>} : memref<1024xi32, #tpu.memory_space<vmem>>, vector<16xi32>,
    %swap3A_328 = vector.shape_cast %swap3A_327 : vector<16xi32> to vector<16xi32>
    %swap3A_329 = vector.shape_cast %add3A_325 : vector<16xi32> to vector<16xi32>
    tpu.vector_store %arg5[%swap3A_326], %swap3A_329 {strides = array<i32>} : memref<1024xi32, #tpu.memory_space<vmem>>, vector<16xi32>,
    %get3A_330 = arith.constant 528 : index
    %get3A_331 = tpu.vector_load %arg5[%get3A_330] {strides = array<i32>} : memref<1024xi32, #tpu.memory_space<vmem>>, vector<16xi32>,
    %get3A_332 = vector.shape_cast %get3A_331 : vector<16xi32> to vector<16xi32>
    %add3A_333 = vector.broadcast %mul3A_34 : i32 to vector<16xi32>
    %add3A_334 = arith.addi %get3A_332, %add3A_333 : vector<16xi32>
    %swap3A_335 = arith.constant 528 : index
    %swap3A_336 = tpu.vector_load %arg5[%swap3A_335] {strides = array<i32>} : memref<1024xi32, #tpu.memory_space<vmem>>, vector<16xi32>,
    %swap3A_337 = vector.shape_cast %swap3A_336 : vector<16xi32> to vector<16xi32>
    %swap3A_338 = vector.shape_cast %add3A_334 : vector<16xi32> to vector<16xi32>
    tpu.vector_store %arg5[%swap3A_335], %swap3A_338 {strides = array<i32>} : memref<1024xi32, #tpu.memory_space<vmem>>, vector<16xi32>,
    %get3A_339 = arith.constant 544 : index
    %get3A_340 = tpu.vector_load %arg5[%get3A_339] {strides = array<i32>} : memref<1024xi32, #tpu.memory_space<vmem>>, vector<16xi32>,
    %get3A_341 = vector.shape_cast %get3A_340 : vector<16xi32> to vector<16xi32>
    %add3A_342 = vector.broadcast %mul3A_34 : i32 to vector<16xi32>
    %add3A_343 = arith.addi %get3A_341, %add3A_342 : vector<16xi32>
    %swap3A_344 = arith.constant 544 : index
    %swap3A_345 = tpu.vector_load %arg5[%swap3A_344] {strides = array<i32>} : memref<1024xi32, #tpu.memory_space<vmem>>, vector<16xi32>,
    %swap3A_346 = vector.shape_cast %swap3A_345 : vector<16xi32> to vector<16xi32>
    %swap3A_347 = vector.shape_cast %add3A_343 : vector<16xi32> to vector<16xi32>
    tpu.vector_store %arg5[%swap3A_344], %swap3A_347 {strides = array<i32>} : memref<1024xi32, #tpu.memory_space<vmem>>, vector<16xi32>,
    %get3A_348 = arith.constant 560 : index
    %get3A_349 = tpu.vector_load %arg5[%get3A_348] {strides = array<i32>} : memref<1024xi32, #tpu.memory_space<vmem>>, vector<16xi32>,
    %get3A_350 = vector.shape_cast %get3A_349 : vector<16xi32> to vector<16xi32>
    %add3A_351 = vector.broadcast %mul3A_34 : i32 to vector<16xi32>
    %add3A_352 = arith.addi %get3A_350, %add3A_351 : vector<16xi32>
    %swap3A_353 = arith.constant 560 : index
    %swap3A_354 = tpu.vector_load %arg5[%swap3A_353] {strides = array<i32>} : memref<1024xi32, #tpu.memory_space<vmem>>, vector<16xi32>,
    %swap3A_355 = vector.shape_cast %swap3A_354 : vector<16xi32> to vector<16xi32>
    %swap3A_356 = vector.shape_cast %add3A_352 : vector<16xi32> to vector<16xi32>
    tpu.vector_store %arg5[%swap3A_353], %swap3A_356 {strides = array<i32>} : memref<1024xi32, #tpu.memory_space<vmem>>, vector<16xi32>,
    %get3A_357 = arith.constant 576 : index
    %get3A_358 = tpu.vector_load %arg5[%get3A_357] {strides = array<i32>} : memref<1024xi32, #tpu.memory_space<vmem>>, vector<16xi32>,
    %get3A_359 = vector.shape_cast %get3A_358 : vector<16xi32> to vector<16xi32>
    %add3A_360 = vector.broadcast %mul3A_34 : i32 to vector<16xi32>
    %add3A_361 = arith.addi %get3A_359, %add3A_360 : vector<16xi32>
    %swap3A_362 = arith.constant 576 : index
    %swap3A_363 = tpu.vector_load %arg5[%swap3A_362] {strides = array<i32>} : memref<1024xi32, #tpu.memory_space<vmem>>, vector<16xi32>,
    %swap3A_364 = vector.shape_cast %swap3A_363 : vector<16xi32> to vector<16xi32>
    %swap3A_365 = vector.shape_cast %add3A_361 : vector<16xi32> to vector<16xi32>
    tpu.vector_store %arg5[%swap3A_362], %swap3A_365 {strides = array<i32>} : memref<1024xi32, #tpu.memory_space<vmem>>, vector<16xi32>,
    %get3A_366 = arith.constant 592 : index
    %get3A_367 = tpu.vector_load %arg5[%get3A_366] {strides = array<i32>} : memref<1024xi32, #tpu.memory_space<vmem>>, vector<16xi32>,
    %get3A_368 = vector.shape_cast %get3A_367 : vector<16xi32> to vector<16xi32>
    %add3A_369 = vector.broadcast %mul3A_34 : i32 to vector<16xi32>
    %add3A_370 = arith.addi %get3A_368, %add3A_369 : vector<16xi32>
    %swap3A_371 = arith.constant 592 : index
    %swap3A_372 = tpu.vector_load %arg5[%swap3A_371] {strides = array<i32>} : memref<1024xi32, #tpu.memory_space<vmem>>, vector<16xi32>,
    %swap3A_373 = vector.shape_cast %swap3A_372 : vector<16xi32> to vector<16xi32>
    %swap3A_374 = vector.shape_cast %add3A_370 : vector<16xi32> to vector<16xi32>
    tpu.vector_store %arg5[%swap3A_371], %swap3A_374 {strides = array<i32>} : memref<1024xi32, #tpu.memory_space<vmem>>, vector<16xi32>,
    %get3A_375 = arith.constant 608 : index
    %get3A_376 = tpu.vector_load %arg5[%get3A_375] {strides = array<i32>} : memref<1024xi32, #tpu.memory_space<vmem>>, vector<16xi32>,
    %get3A_377 = vector.shape_cast %get3A_376 : vector<16xi32> to vector<16xi32>
    %add3A_378 = vector.broadcast %mul3A_34 : i32 to vector<16xi32>
    %add3A_379 = arith.addi %get3A_377, %add3A_378 : vector<16xi32>
    %swap3A_380 = arith.constant 608 : index
    %swap3A_381 = tpu.vector_load %arg5[%swap3A_380] {strides = array<i32>} : memref<1024xi32, #tpu.memory_space<vmem>>, vector<16xi32>,
    %swap3A_382 = vector.shape_cast %swap3A_381 : vector<16xi32> to vector<16xi32>
    %swap3A_383 = vector.shape_cast %add3A_379 : vector<16xi32> to vector<16xi32>
    tpu.vector_store %arg5[%swap3A_380], %swap3A_383 {strides = array<i32>} : memref<1024xi32, #tpu.memory_space<vmem>>, vector<16xi32>,
    %get3A_384 = arith.constant 624 : index
    %get3A_385 = tpu.vector_load %arg5[%get3A_384] {strides = array<i32>} : memref<1024xi32, #tpu.memory_space<vmem>>, vector<16xi32>,
    %get3A_386 = vector.shape_cast %get3A_385 : vector<16xi32> to vector<16xi32>
    %add3A_387 = vector.broadcast %mul3A_34 : i32 to vector<16xi32>
    %add3A_388 = arith.addi %get3A_386, %add3A_387 : vector<16xi32>
    %swap3A_389 = arith.constant 624 : index
    %swap3A_390 = tpu.vector_load %arg5[%swap3A_389] {strides = array<i32>} : memref<1024xi32, #tpu.memory_space<vmem>>, vector<16xi32>,
    %swap3A_391 = vector.shape_cast %swap3A_390 : vector<16xi32> to vector<16xi32>
    %swap3A_392 = vector.shape_cast %add3A_388 : vector<16xi32> to vector<16xi32>
    tpu.vector_store %arg5[%swap3A_389], %swap3A_392 {strides = array<i32>} : memref<1024xi32, #tpu.memory_space<vmem>>, vector<16xi32>,
    %get3A_393 = arith.constant 640 : index
    %get3A_394 = tpu.vector_load %arg5[%get3A_393] {strides = array<i32>} : memref<1024xi32, #tpu.memory_space<vmem>>, vector<16xi32>,
    %get3A_395 = vector.shape_cast %get3A_394 : vector<16xi32> to vector<16xi32>
    %add3A_396 = vector.broadcast %mul3A_34 : i32 to vector<16xi32>
    %add3A_397 = arith.addi %get3A_395, %add3A_396 : vector<16xi32>
    %swap3A_398 = arith.constant 640 : index
    %swap3A_399 = tpu.vector_load %arg5[%swap3A_398] {strides = array<i32>} : memref<1024xi32, #tpu.memory_space<vmem>>, vector<16xi32>,
    %swap3A_400 = vector.shape_cast %swap3A_399 : vector<16xi32> to vector<16xi32>
    %swap3A_401 = vector.shape_cast %add3A_397 : vector<16xi32> to vector<16xi32>
    tpu.vector_store %arg5[%swap3A_398], %swap3A_401 {strides = array<i32>} : memref<1024xi32, #tpu.memory_space<vmem>>, vector<16xi32>,
    %get3A_402 = arith.constant 656 : index
    %get3A_403 = tpu.vector_load %arg5[%get3A_402] {strides = array<i32>} : memref<1024xi32, #tpu.memory_space<vmem>>, vector<16xi32>,
    %get3A_404 = vector.shape_cast %get3A_403 : vector<16xi32> to vector<16xi32>
    %add3A_405 = vector.broadcast %mul3A_34 : i32 to vector<16xi32>
    %add3A_406 = arith.addi %get3A_404, %add3A_405 : vector<16xi32>
    %swap3A_407 = arith.constant 656 : index
    %swap3A_408 = tpu.vector_load %arg5[%swap3A_407] {strides = array<i32>} : memref<1024xi32, #tpu.memory_space<vmem>>, vector<16xi32>,
    %swap3A_409 = vector.shape_cast %swap3A_408 : vector<16xi32> to vector<16xi32>
    %swap3A_410 = vector.shape_cast %add3A_406 : vector<16xi32> to vector<16xi32>
    tpu.vector_store %arg5[%swap3A_407], %swap3A_410 {strides = array<i32>} : memref<1024xi32, #tpu.memory_space<vmem>>, vector<16xi32>,
    %get3A_411 = arith.constant 672 : index
    %get3A_412 = tpu.vector_load %arg5[%get3A_411] {strides = array<i32>} : memref<1024xi32, #tpu.memory_space<vmem>>, vector<16xi32>,
    %get3A_413 = vector.shape_cast %get3A_412 : vector<16xi32> to vector<16xi32>
    %add3A_414 = vector.broadcast %mul3A_34 : i32 to vector<16xi32>
    %add3A_415 = arith.addi %get3A_413, %add3A_414 : vector<16xi32>
    %swap3A_416 = arith.constant 672 : index
    %swap3A_417 = tpu.vector_load %arg5[%swap3A_416] {strides = array<i32>} : memref<1024xi32, #tpu.memory_space<vmem>>, vector<16xi32>,
    %swap3A_418 = vector.shape_cast %swap3A_417 : vector<16xi32> to vector<16xi32>
    %swap3A_419 = vector.shape_cast %add3A_415 : vector<16xi32> to vector<16xi32>
    tpu.vector_store %arg5[%swap3A_416], %swap3A_419 {strides = array<i32>} : memref<1024xi32, #tpu.memory_space<vmem>>, vector<16xi32>,
    %get3A_420 = arith.constant 688 : index
    %get3A_421 = tpu.vector_load %arg5[%get3A_420] {strides = array<i32>} : memref<1024xi32, #tpu.memory_space<vmem>>, vector<16xi32>,
    %get3A_422 = vector.shape_cast %get3A_421 : vector<16xi32> to vector<16xi32>
    %add3A_423 = vector.broadcast %mul3A_34 : i32 to vector<16xi32>
    %add3A_424 = arith.addi %get3A_422, %add3A_423 : vector<16xi32>
    %swap3A_425 = arith.constant 688 : index
    %swap3A_426 = tpu.vector_load %arg5[%swap3A_425] {strides = array<i32>} : memref<1024xi32, #tpu.memory_space<vmem>>, vector<16xi32>,
    %swap3A_427 = vector.shape_cast %swap3A_426 : vector<16xi32> to vector<16xi32>
    %swap3A_428 = vector.shape_cast %add3A_424 : vector<16xi32> to vector<16xi32>
    tpu.vector_store %arg5[%swap3A_425], %swap3A_428 {strides = array<i32>} : memref<1024xi32, #tpu.memory_space<vmem>>, vector<16xi32>,
    %get3A_429 = arith.constant 704 : index
    %get3A_430 = tpu.vector_load %arg5[%get3A_429] {strides = array<i32>} : memref<1024xi32, #tpu.memory_space<vmem>>, vector<16xi32>,
    %get3A_431 = vector.shape_cast %get3A_430 : vector<16xi32> to vector<16xi32>
    %add3A_432 = vector.broadcast %mul3A_34 : i32 to vector<16xi32>
    %add3A_433 = arith.addi %get3A_431, %add3A_432 : vector<16xi32>
    %swap3A_434 = arith.constant 704 : index
    %swap3A_435 = tpu.vector_load %arg5[%swap3A_434] {strides = array<i32>} : memref<1024xi32, #tpu.memory_space<vmem>>, vector<16xi32>,
    %swap3A_436 = vector.shape_cast %swap3A_435 : vector<16xi32> to vector<16xi32>
    %swap3A_437 = vector.shape_cast %add3A_433 : vector<16xi32> to vector<16xi32>
    tpu.vector_store %arg5[%swap3A_434], %swap3A_437 {strides = array<i32>} : memref<1024xi32, #tpu.memory_space<vmem>>, vector<16xi32>,
    %get3A_438 = arith.constant 720 : index
    %get3A_439 = tpu.vector_load %arg5[%get3A_438] {strides = array<i32>} : memref<1024xi32, #tpu.memory_space<vmem>>, vector<16xi32>,
    %get3A_440 = vector.shape_cast %get3A_439 : vector<16xi32> to vector<16xi32>
    %add3A_441 = vector.broadcast %mul3A_34 : i32 to vector<16xi32>
    %add3A_442 = arith.addi %get3A_440, %add3A_441 : vector<16xi32>
    %swap3A_443 = arith.constant 720 : index
    %swap3A_444 = tpu.vector_load %arg5[%swap3A_443] {strides = array<i32>} : memref<1024xi32, #tpu.memory_space<vmem>>, vector<16xi32>,
    %swap3A_445 = vector.shape_cast %swap3A_444 : vector<16xi32> to vector<16xi32>
    %swap3A_446 = vector.shape_cast %add3A_442 : vector<16xi32> to vector<16xi32>
    tpu.vector_store %arg5[%swap3A_443], %swap3A_446 {strides = array<i32>} : memref<1024xi32, #tpu.memory_space<vmem>>, vector<16xi32>,
    %get3A_447 = arith.constant 736 : index
    %get3A_448 = tpu.vector_load %arg5[%get3A_447] {strides = array<i32>} : memref<1024xi32, #tpu.memory_space<vmem>>, vector<16xi32>,
    %get3A_449 = vector.shape_cast %get3A_448 : vector<16xi32> to vector<16xi32>
    %add3A_450 = vector.broadcast %mul3A_34 : i32 to vector<16xi32>
    %add3A_451 = arith.addi %get3A_449, %add3A_450 : vector<16xi32>
    %swap3A_452 = arith.constant 736 : index
    %swap3A_453 = tpu.vector_load %arg5[%swap3A_452] {strides = array<i32>} : memref<1024xi32, #tpu.memory_space<vmem>>, vector<16xi32>,
    %swap3A_454 = vector.shape_cast %swap3A_453 : vector<16xi32> to vector<16xi32>
    %swap3A_455 = vector.shape_cast %add3A_451 : vector<16xi32> to vector<16xi32>
    tpu.vector_store %arg5[%swap3A_452], %swap3A_455 {strides = array<i32>} : memref<1024xi32, #tpu.memory_space<vmem>>, vector<16xi32>,
    %get3A_456 = arith.constant 752 : index
    %get3A_457 = tpu.vector_load %arg5[%get3A_456] {strides = array<i32>} : memref<1024xi32, #tpu.memory_space<vmem>>, vector<16xi32>,
    %get3A_458 = vector.shape_cast %get3A_457 : vector<16xi32> to vector<16xi32>
    %add3A_459 = vector.broadcast %mul3A_34 : i32 to vector<16xi32>
    %add3A_460 = arith.addi %get3A_458, %add3A_459 : vector<16xi32>
    %swap3A_461 = arith.constant 752 : index
    %swap3A_462 = tpu.vector_load %arg5[%swap3A_461] {strides = array<i32>} : memref<1024xi32, #tpu.memory_space<vmem>>, vector<16xi32>,
    %swap3A_463 = vector.shape_cast %swap3A_462 : vector<16xi32> to vector<16xi32>
    %swap3A_464 = vector.shape_cast %add3A_460 : vector<16xi32> to vector<16xi32>
    tpu.vector_store %arg5[%swap3A_461], %swap3A_464 {strides = array<i32>} : memref<1024xi32, #tpu.memory_space<vmem>>, vector<16xi32>,
    %get3A_465 = arith.constant 768 : index
    %get3A_466 = tpu.vector_load %arg5[%get3A_465] {strides = array<i32>} : memref<1024xi32, #tpu.memory_space<vmem>>, vector<16xi32>,
    %get3A_467 = vector.shape_cast %get3A_466 : vector<16xi32> to vector<16xi32>
    %add3A_468 = vector.broadcast %mul3A_34 : i32 to vector<16xi32>
    %add3A_469 = arith.addi %get3A_467, %add3A_468 : vector<16xi32>
    %swap3A_470 = arith.constant 768 : index
    %swap3A_471 = tpu.vector_load %arg5[%swap3A_470] {strides = array<i32>} : memref<1024xi32, #tpu.memory_space<vmem>>, vector<16xi32>,
    %swap3A_472 = vector.shape_cast %swap3A_471 : vector<16xi32> to vector<16xi32>
    %swap3A_473 = vector.shape_cast %add3A_469 : vector<16xi32> to vector<16xi32>
    tpu.vector_store %arg5[%swap3A_470], %swap3A_473 {strides = array<i32>} : memref<1024xi32, #tpu.memory_space<vmem>>, vector<16xi32>,
    %get3A_474 = arith.constant 784 : index
    %get3A_475 = tpu.vector_load %arg5[%get3A_474] {strides = array<i32>} : memref<1024xi32, #tpu.memory_space<vmem>>, vector<16xi32>,
    %get3A_476 = vector.shape_cast %get3A_475 : vector<16xi32> to vector<16xi32>
    %add3A_477 = vector.broadcast %mul3A_34 : i32 to vector<16xi32>
    %add3A_478 = arith.addi %get3A_476, %add3A_477 : vector<16xi32>
    %swap3A_479 = arith.constant 784 : index
    %swap3A_480 = tpu.vector_load %arg5[%swap3A_479] {strides = array<i32>} : memref<1024xi32, #tpu.memory_space<vmem>>, vector<16xi32>,
    %swap3A_481 = vector.shape_cast %swap3A_480 : vector<16xi32> to vector<16xi32>
    %swap3A_482 = vector.shape_cast %add3A_478 : vector<16xi32> to vector<16xi32>
    tpu.vector_store %arg5[%swap3A_479], %swap3A_482 {strides = array<i32>} : memref<1024xi32, #tpu.memory_space<vmem>>, vector<16xi32>,
    %get3A_483 = arith.constant 800 : index
    %get3A_484 = tpu.vector_load %arg5[%get3A_483] {strides = array<i32>} : memref<1024xi32, #tpu.memory_space<vmem>>, vector<16xi32>,
    %get3A_485 = vector.shape_cast %get3A_484 : vector<16xi32> to vector<16xi32>
    %add3A_486 = vector.broadcast %mul3A_34 : i32 to vector<16xi32>
    %add3A_487 = arith.addi %get3A_485, %add3A_486 : vector<16xi32>
    %swap3A_488 = arith.constant 800 : index
    %swap3A_489 = tpu.vector_load %arg5[%swap3A_488] {strides = array<i32>} : memref<1024xi32, #tpu.memory_space<vmem>>, vector<16xi32>,
    %swap3A_490 = vector.shape_cast %swap3A_489 : vector<16xi32> to vector<16xi32>
    %swap3A_491 = vector.shape_cast %add3A_487 : vector<16xi32> to vector<16xi32>
    tpu.vector_store %arg5[%swap3A_488], %swap3A_491 {strides = array<i32>} : memref<1024xi32, #tpu.memory_space<vmem>>, vector<16xi32>,
    %get3A_492 = arith.constant 816 : index
    %get3A_493 = tpu.vector_load %arg5[%get3A_492] {strides = array<i32>} : memref<1024xi32, #tpu.memory_space<vmem>>, vector<16xi32>,
    %get3A_494 = vector.shape_cast %get3A_493 : vector<16xi32> to vector<16xi32>
    %add3A_495 = vector.broadcast %mul3A_34 : i32 to vector<16xi32>
    %add3A_496 = arith.addi %get3A_494, %add3A_495 : vector<16xi32>
    %swap3A_497 = arith.constant 816 : index
    %swap3A_498 = tpu.vector_load %arg5[%swap3A_497] {strides = array<i32>} : memref<1024xi32, #tpu.memory_space<vmem>>, vector<16xi32>,
    %swap3A_499 = vector.shape_cast %swap3A_498 : vector<16xi32> to vector<16xi32>
    %swap3A_500 = vector.shape_cast %add3A_496 : vector<16xi32> to vector<16xi32>
    tpu.vector_store %arg5[%swap3A_497], %swap3A_500 {strides = array<i32>} : memref<1024xi32, #tpu.memory_space<vmem>>, vector<16xi32>,
    %get3A_501 = arith.constant 832 : index
    %get3A_502 = tpu.vector_load %arg5[%get3A_501] {strides = array<i32>} : memref<1024xi32, #tpu.memory_space<vmem>>, vector<16xi32>,
    %get3A_503 = vector.shape_cast %get3A_502 : vector<16xi32> to vector<16xi32>
    %add3A_504 = vector.broadcast %mul3A_34 : i32 to vector<16xi32>
    %add3A_505 = arith.addi %get3A_503, %add3A_504 : vector<16xi32>
    %swap3A_506 = arith.constant 832 : index
    %swap3A_507 = tpu.vector_load %arg5[%swap3A_506] {strides = array<i32>} : memref<1024xi32, #tpu.memory_space<vmem>>, vector<16xi32>,
    %swap3A_508 = vector.shape_cast %swap3A_507 : vector<16xi32> to vector<16xi32>
    %swap3A_509 = vector.shape_cast %add3A_505 : vector<16xi32> to vector<16xi32>
    tpu.vector_store %arg5[%swap3A_506], %swap3A_509 {strides = array<i32>} : memref<1024xi32, #tpu.memory_space<vmem>>, vector<16xi32>,
    %get3A_510 = arith.constant 848 : index
    %get3A_511 = tpu.vector_load %arg5[%get3A_510] {strides = array<i32>} : memref<1024xi32, #tpu.memory_space<vmem>>, vector<16xi32>,
    %get3A_512 = vector.shape_cast %get3A_511 : vector<16xi32> to vector<16xi32>
    %add3A_513 = vector.broadcast %mul3A_34 : i32 to vector<16xi32>
    %add3A_514 = arith.addi %get3A_512, %add3A_513 : vector<16xi32>
    %swap3A_515 = arith.constant 848 : index
    %swap3A_516 = tpu.vector_load %arg5[%swap3A_515] {strides = array<i32>} : memref<1024xi32, #tpu.memory_space<vmem>>, vector<16xi32>,
    %swap3A_517 = vector.shape_cast %swap3A_516 : vector<16xi32> to vector<16xi32>
    %swap3A_518 = vector.shape_cast %add3A_514 : vector<16xi32> to vector<16xi32>
    tpu.vector_store %arg5[%swap3A_515], %swap3A_518 {strides = array<i32>} : memref<1024xi32, #tpu.memory_space<vmem>>, vector<16xi32>,
    %get3A_519 = arith.constant 864 : index
    %get3A_520 = tpu.vector_load %arg5[%get3A_519] {strides = array<i32>} : memref<1024xi32, #tpu.memory_space<vmem>>, vector<16xi32>,
    %get3A_521 = vector.shape_cast %get3A_520 : vector<16xi32> to vector<16xi32>
    %add3A_522 = vector.broadcast %mul3A_34 : i32 to vector<16xi32>
    %add3A_523 = arith.addi %get3A_521, %add3A_522 : vector<16xi32>
    %swap3A_524 = arith.constant 864 : index
    %swap3A_525 = tpu.vector_load %arg5[%swap3A_524] {strides = array<i32>} : memref<1024xi32, #tpu.memory_space<vmem>>, vector<16xi32>,
    %swap3A_526 = vector.shape_cast %swap3A_525 : vector<16xi32> to vector<16xi32>
    %swap3A_527 = vector.shape_cast %add3A_523 : vector<16xi32> to vector<16xi32>
    tpu.vector_store %arg5[%swap3A_524], %swap3A_527 {strides = array<i32>} : memref<1024xi32, #tpu.memory_space<vmem>>, vector<16xi32>,
    %get3A_528 = arith.constant 880 : index
    %get3A_529 = tpu.vector_load %arg5[%get3A_528] {strides = array<i32>} : memref<1024xi32, #tpu.memory_space<vmem>>, vector<16xi32>,
    %get3A_530 = vector.shape_cast %get3A_529 : vector<16xi32> to vector<16xi32>
    %add3A_531 = vector.broadcast %mul3A_34 : i32 to vector<16xi32>
    %add3A_532 = arith.addi %get3A_530, %add3A_531 : vector<16xi32>
    %swap3A_533 = arith.constant 880 : index
    %swap3A_534 = tpu.vector_load %arg5[%swap3A_533] {strides = array<i32>} : memref<1024xi32, #tpu.memory_space<vmem>>, vector<16xi32>,
    %swap3A_535 = vector.shape_cast %swap3A_534 : vector<16xi32> to vector<16xi32>
    %swap3A_536 = vector.shape_cast %add3A_532 : vector<16xi32> to vector<16xi32>
    tpu.vector_store %arg5[%swap3A_533], %swap3A_536 {strides = array<i32>} : memref<1024xi32, #tpu.memory_space<vmem>>, vector<16xi32>,
    %get3A_537 = arith.constant 896 : index
    %get3A_538 = tpu.vector_load %arg5[%get3A_537] {strides = array<i32>} : memref<1024xi32, #tpu.memory_space<vmem>>, vector<16xi32>,
    %get3A_539 = vector.shape_cast %get3A_538 : vector<16xi32> to vector<16xi32>
    %add3A_540 = vector.broadcast %mul3A_34 : i32 to vector<16xi32>
    %add3A_541 = arith.addi %get3A_539, %add3A_540 : vector<16xi32>
    %swap3A_542 = arith.constant 896 : index
    %swap3A_543 = tpu.vector_load %arg5[%swap3A_542] {strides = array<i32>} : memref<1024xi32, #tpu.memory_space<vmem>>, vector<16xi32>,
    %swap3A_544 = vector.shape_cast %swap3A_543 : vector<16xi32> to vector<16xi32>
    %swap3A_545 = vector.shape_cast %add3A_541 : vector<16xi32> to vector<16xi32>
    tpu.vector_store %arg5[%swap3A_542], %swap3A_545 {strides = array<i32>} : memref<1024xi32, #tpu.memory_space<vmem>>, vector<16xi32>,
    %get3A_546 = arith.constant 912 : index
    %get3A_547 = tpu.vector_load %arg5[%get3A_546] {strides = array<i32>} : memref<1024xi32, #tpu.memory_space<vmem>>, vector<16xi32>,
    %get3A_548 = vector.shape_cast %get3A_547 : vector<16xi32> to vector<16xi32>
    %add3A_549 = vector.broadcast %mul3A_34 : i32 to vector<16xi32>
    %add3A_550 = arith.addi %get3A_548, %add3A_549 : vector<16xi32>
    %swap3A_551 = arith.constant 912 : index
    %swap3A_552 = tpu.vector_load %arg5[%swap3A_551] {strides = array<i32>} : memref<1024xi32, #tpu.memory_space<vmem>>, vector<16xi32>,
    %swap3A_553 = vector.shape_cast %swap3A_552 : vector<16xi32> to vector<16xi32>
    %swap3A_554 = vector.shape_cast %add3A_550 : vector<16xi32> to vector<16xi32>
    tpu.vector_store %arg5[%swap3A_551], %swap3A_554 {strides = array<i32>} : memref<1024xi32, #tpu.memory_space<vmem>>, vector<16xi32>,
    %get3A_555 = arith.constant 928 : index
    %get3A_556 = tpu.vector_load %arg5[%get3A_555] {strides = array<i32>} : memref<1024xi32, #tpu.memory_space<vmem>>, vector<16xi32>,
    %get3A_557 = vector.shape_cast %get3A_556 : vector<16xi32> to vector<16xi32>
    %add3A_558 = vector.broadcast %mul3A_34 : i32 to vector<16xi32>
    %add3A_559 = arith.addi %get3A_557, %add3A_558 : vector<16xi32>
    %swap3A_560 = arith.constant 928 : index
    %swap3A_561 = tpu.vector_load %arg5[%swap3A_560] {strides = array<i32>} : memref<1024xi32, #tpu.memory_space<vmem>>, vector<16xi32>,
    %swap3A_562 = vector.shape_cast %swap3A_561 : vector<16xi32> to vector<16xi32>
    %swap3A_563 = vector.shape_cast %add3A_559 : vector<16xi32> to vector<16xi32>
    tpu.vector_store %arg5[%swap3A_560], %swap3A_563 {strides = array<i32>} : memref<1024xi32, #tpu.memory_space<vmem>>, vector<16xi32>,
    %get3A_564 = arith.constant 944 : index
    %get3A_565 = tpu.vector_load %arg5[%get3A_564] {strides = array<i32>} : memref<1024xi32, #tpu.memory_space<vmem>>, vector<16xi32>,
    %get3A_566 = vector.shape_cast %get3A_565 : vector<16xi32> to vector<16xi32>
    %add3A_567 = vector.broadcast %mul3A_34 : i32 to vector<16xi32>
    %add3A_568 = arith.addi %get3A_566, %add3A_567 : vector<16xi32>
    %swap3A_569 = arith.constant 944 : index
    %swap3A_570 = tpu.vector_load %arg5[%swap3A_569] {strides = array<i32>} : memref<1024xi32, #tpu.memory_space<vmem>>, vector<16xi32>,
    %swap3A_571 = vector.shape_cast %swap3A_570 : vector<16xi32> to vector<16xi32>
    %swap3A_572 = vector.shape_cast %add3A_568 : vector<16xi32> to vector<16xi32>
    tpu.vector_store %arg5[%swap3A_569], %swap3A_572 {strides = array<i32>} : memref<1024xi32, #tpu.memory_space<vmem>>, vector<16xi32>,
    %get3A_573 = arith.constant 960 : index
    %get3A_574 = tpu.vector_load %arg5[%get3A_573] {strides = array<i32>} : memref<1024xi32, #tpu.memory_space<vmem>>, vector<16xi32>,
    %get3A_575 = vector.shape_cast %get3A_574 : vector<16xi32> to vector<16xi32>
    %add3A_576 = vector.broadcast %mul3A_34 : i32 to vector<16xi32>
    %add3A_577 = arith.addi %get3A_575, %add3A_576 : vector<16xi32>
    %swap3A_578 = arith.constant 960 : index
    %swap3A_579 = tpu.vector_load %arg5[%swap3A_578] {strides = array<i32>} : memref<1024xi32, #tpu.memory_space<vmem>>, vector<16xi32>,
    %swap3A_580 = vector.shape_cast %swap3A_579 : vector<16xi32> to vector<16xi32>
    %swap3A_581 = vector.shape_cast %add3A_577 : vector<16xi32> to vector<16xi32>
    tpu.vector_store %arg5[%swap3A_578], %swap3A_581 {strides = array<i32>} : memref<1024xi32, #tpu.memory_space<vmem>>, vector<16xi32>,
    %get3A_582 = arith.constant 976 : index
    %get3A_583 = tpu.vector_load %arg5[%get3A_582] {strides = array<i32>} : memref<1024xi32, #tpu.memory_space<vmem>>, vector<16xi32>,
    %get3A_584 = vector.shape_cast %get3A_583 : vector<16xi32> to vector<16xi32>
    %add3A_585 = vector.broadcast %mul3A_34 : i32 to vector<16xi32>
    %add3A_586 = arith.addi %get3A_584, %add3A_585 : vector<16xi32>
    %swap3A_587 = arith.constant 976 : index
    %swap3A_588 = tpu.vector_load %arg5[%swap3A_587] {strides = array<i32>} : memref<1024xi32, #tpu.memory_space<vmem>>, vector<16xi32>,
    %swap3A_589 = vector.shape_cast %swap3A_588 : vector<16xi32> to vector<16xi32>
    %swap3A_590 = vector.shape_cast %add3A_586 : vector<16xi32> to vector<16xi32>
    tpu.vector_store %arg5[%swap3A_587], %swap3A_590 {strides = array<i32>} : memref<1024xi32, #tpu.memory_space<vmem>>, vector<16xi32>,
    %get3A_591 = arith.constant 992 : index
    %get3A_592 = tpu.vector_load %arg5[%get3A_591] {strides = array<i32>} : memref<1024xi32, #tpu.memory_space<vmem>>, vector<16xi32>,
    %get3A_593 = vector.shape_cast %get3A_592 : vector<16xi32> to vector<16xi32>
    %add3A_594 = vector.broadcast %mul3A_34 : i32 to vector<16xi32>
    %add3A_595 = arith.addi %get3A_593, %add3A_594 : vector<16xi32>
    %swap3A_596 = arith.constant 992 : index
    %swap3A_597 = tpu.vector_load %arg5[%swap3A_596] {strides = array<i32>} : memref<1024xi32, #tpu.memory_space<vmem>>, vector<16xi32>,
    %swap3A_598 = vector.shape_cast %swap3A_597 : vector<16xi32> to vector<16xi32>
    %swap3A_599 = vector.shape_cast %add3A_595 : vector<16xi32> to vector<16xi32>
    tpu.vector_store %arg5[%swap3A_596], %swap3A_599 {strides = array<i32>} : memref<1024xi32, #tpu.memory_space<vmem>>, vector<16xi32>,
    %get3A_600 = arith.constant 1008 : index
    %get3A_601 = tpu.vector_load %arg5[%get3A_600] {strides = array<i32>} : memref<1024xi32, #tpu.memory_space<vmem>>, vector<16xi32>,
    %get3A_602 = vector.shape_cast %get3A_601 : vector<16xi32> to vector<16xi32>
    %add3A_603 = vector.broadcast %mul3A_34 : i32 to vector<16xi32>
    %add3A_604 = arith.addi %get3A_602, %add3A_603 : vector<16xi32>
    %swap3A_605 = arith.constant 1008 : index
    %swap3A_606 = tpu.vector_load %arg5[%swap3A_605] {strides = array<i32>} : memref<1024xi32, #tpu.memory_space<vmem>>, vector<16xi32>,
    %swap3A_607 = vector.shape_cast %swap3A_606 : vector<16xi32> to vector<16xi32>
    %swap3A_608 = vector.shape_cast %add3A_604 : vector<16xi32> to vector<16xi32>
    tpu.vector_store %arg5[%swap3A_605], %swap3A_608 {strides = array<i32>} : memref<1024xi32, #tpu.memory_space<vmem>>, vector<16xi32>,
    %dma_start3A = arith.constant 0 : i32
    %dma_start3A_609 = arith.constant 0 : i32
    %dma_start3A_610 = arith.constant 0 : i32
    %dma_start3A_611 = tpu.memref_slice %arg6[%dma_start3A, %dma_start3A_609, %dma_start3A_610] : memref<7x128x128xf32, #tpu.memory_space<vmem>> -> memref<1x128x128xf32, #tpu.memory_space<vmem>>
    %dma_start3A_612 = tpu.memref_squeeze %dma_start3A_611 : memref<1x128x128xf32, #tpu.memory_space<vmem>> -> memref<128x128xf32, #tpu.memory_space<vmem>>
    %dma_start3A_613 = arith.constant 0 : i32
    %dma_start3A_614 = tpu.memref_slice %arg5[%dma_start3A_613] : memref<1024xi32, #tpu.memory_space<vmem>> -> memref<128xi32, #tpu.memory_space<vmem>>
    %dma_start3A_615 = arith.constant 0 : i32
    %dma_start3A_616 = arith.constant 0 : i32
    %dma_start3A_617 = tpu.memref_slice %arg2[%dma_start3A_615, %dma_start3A_616] : memref<800000x128xf32, #tpu.memory_space<hbm>> -> memref<800000x128xf32, #tpu.memory_space<hbm>>
    tpu.enqueue_indirect_dma source(%dma_start3A_617 : memref<800000x128xf32, #tpu.memory_space<hbm>>) target(%dma_start3A_612 : memref<128x128xf32, #tpu.memory_space<vmem>>) offsets(%dma_start3A_614 : memref<128xi32, #tpu.memory_space<vmem>>) semaphore(%arg7 : memref<!tpu.dma_semaphore, #tpu.memory_space<semaphore_mem>>)
    %dma_start3A_618 = arith.constant 1 : i32
    %dma_start3A_619 = arith.constant 0 : i32
    %dma_start3A_620 = arith.constant 0 : i32
    %dma_start3A_621 = tpu.memref_slice %arg6[%dma_start3A_618, %dma_start3A_619, %dma_start3A_620] : memref<7x128x128xf32, #tpu.memory_space<vmem>> -> memref<1x128x128xf32, #tpu.memory_space<vmem>>
    %dma_start3A_622 = tpu.memref_squeeze %dma_start3A_621 : memref<1x128x128xf32, #tpu.memory_space<vmem>> -> memref<128x128xf32, #tpu.memory_space<vmem>>
    %dma_start3A_623 = arith.constant 128 : i32
    %dma_start3A_624 = tpu.memref_slice %arg5[%dma_start3A_623] : memref<1024xi32, #tpu.memory_space<vmem>> -> memref<128xi32, #tpu.memory_space<vmem>>
    %dma_start3A_625 = arith.constant 0 : i32
    %dma_start3A_626 = arith.constant 0 : i32
    %dma_start3A_627 = tpu.memref_slice %arg2[%dma_start3A_625, %dma_start3A_626] : memref<800000x128xf32, #tpu.memory_space<hbm>> -> memref<800000x128xf32, #tpu.memory_space<hbm>>
    tpu.enqueue_indirect_dma source(%dma_start3A_627 : memref<800000x128xf32, #tpu.memory_space<hbm>>) target(%dma_start3A_622 : memref<128x128xf32, #tpu.memory_space<vmem>>) offsets(%dma_start3A_624 : memref<128xi32, #tpu.memory_space<vmem>>) semaphore(%arg8 : memref<!tpu.dma_semaphore, #tpu.memory_space<semaphore_mem>>)
    %dma_start3A_628 = arith.constant 2 : i32
    %dma_start3A_629 = arith.constant 0 : i32
    %dma_start3A_630 = arith.constant 0 : i32
    %dma_start3A_631 = tpu.memref_slice %arg6[%dma_start3A_628, %dma_start3A_629, %dma_start3A_630] : memref<7x128x128xf32, #tpu.memory_space<vmem>> -> memref<1x128x128xf32, #tpu.memory_space<vmem>>
    %dma_start3A_632 = tpu.memref_squeeze %dma_start3A_631 : memref<1x128x128xf32, #tpu.memory_space<vmem>> -> memref<128x128xf32, #tpu.memory_space<vmem>>
    %dma_start3A_633 = arith.constant 256 : i32
    %dma_start3A_634 = tpu.memref_slice %arg5[%dma_start3A_633] : memref<1024xi32, #tpu.memory_space<vmem>> -> memref<128xi32, #tpu.memory_space<vmem>>
    %dma_start3A_635 = arith.constant 0 : i32
    %dma_start3A_636 = arith.constant 0 : i32
    %dma_start3A_637 = tpu.memref_slice %arg2[%dma_start3A_635, %dma_start3A_636] : memref<800000x128xf32, #tpu.memory_space<hbm>> -> memref<800000x128xf32, #tpu.memory_space<hbm>>
    tpu.enqueue_indirect_dma source(%dma_start3A_637 : memref<800000x128xf32, #tpu.memory_space<hbm>>) target(%dma_start3A_632 : memref<128x128xf32, #tpu.memory_space<vmem>>) offsets(%dma_start3A_634 : memref<128xi32, #tpu.memory_space<vmem>>) semaphore(%arg9 : memref<!tpu.dma_semaphore, #tpu.memory_space<semaphore_mem>>)
    %dma_start3A_638 = arith.constant 3 : i32
    %dma_start3A_639 = arith.constant 0 : i32
    %dma_start3A_640 = arith.constant 0 : i32
    %dma_start3A_641 = tpu.memref_slice %arg6[%dma_start3A_638, %dma_start3A_639, %dma_start3A_640] : memref<7x128x128xf32, #tpu.memory_space<vmem>> -> memref<1x128x128xf32, #tpu.memory_space<vmem>>
    %dma_start3A_642 = tpu.memref_squeeze %dma_start3A_641 : memref<1x128x128xf32, #tpu.memory_space<vmem>> -> memref<128x128xf32, #tpu.memory_space<vmem>>
    %dma_start3A_643 = arith.constant 384 : i32
    %dma_start3A_644 = tpu.memref_slice %arg5[%dma_start3A_643] : memref<1024xi32, #tpu.memory_space<vmem>> -> memref<128xi32, #tpu.memory_space<vmem>>
    %dma_start3A_645 = arith.constant 0 : i32
    %dma_start3A_646 = arith.constant 0 : i32
    %dma_start3A_647 = tpu.memref_slice %arg2[%dma_start3A_645, %dma_start3A_646] : memref<800000x128xf32, #tpu.memory_space<hbm>> -> memref<800000x128xf32, #tpu.memory_space<hbm>>
    tpu.enqueue_indirect_dma source(%dma_start3A_647 : memref<800000x128xf32, #tpu.memory_space<hbm>>) target(%dma_start3A_642 : memref<128x128xf32, #tpu.memory_space<vmem>>) offsets(%dma_start3A_644 : memref<128xi32, #tpu.memory_space<vmem>>) semaphore(%arg10 : memref<!tpu.dma_semaphore, #tpu.memory_space<semaphore_mem>>)
    %dma_start3A_648 = arith.constant 4 : i32
    %dma_start3A_649 = arith.constant 0 : i32
    %dma_start3A_650 = arith.constant 0 : i32
    %dma_start3A_651 = tpu.memref_slice %arg6[%dma_start3A_648, %dma_start3A_649, %dma_start3A_650] : memref<7x128x128xf32, #tpu.memory_space<vmem>> -> memref<1x128x128xf32, #tpu.memory_space<vmem>>
    %dma_start3A_652 = tpu.memref_squeeze %dma_start3A_651 : memref<1x128x128xf32, #tpu.memory_space<vmem>> -> memref<128x128xf32, #tpu.memory_space<vmem>>
    %dma_start3A_653 = arith.constant 512 : i32
    %dma_start3A_654 = tpu.memref_slice %arg5[%dma_start3A_653] : memref<1024xi32, #tpu.memory_space<vmem>> -> memref<128xi32, #tpu.memory_space<vmem>>
    %dma_start3A_655 = arith.constant 0 : i32
    %dma_start3A_656 = arith.constant 0 : i32
    %dma_start3A_657 = tpu.memref_slice %arg2[%dma_start3A_655, %dma_start3A_656] : memref<800000x128xf32, #tpu.memory_space<hbm>> -> memref<800000x128xf32, #tpu.memory_space<hbm>>
    tpu.enqueue_indirect_dma source(%dma_start3A_657 : memref<800000x128xf32, #tpu.memory_space<hbm>>) target(%dma_start3A_652 : memref<128x128xf32, #tpu.memory_space<vmem>>) offsets(%dma_start3A_654 : memref<128xi32, #tpu.memory_space<vmem>>) semaphore(%arg11 : memref<!tpu.dma_semaphore, #tpu.memory_space<semaphore_mem>>)
    %dma_start3A_658 = arith.constant 5 : i32
    %dma_start3A_659 = arith.constant 0 : i32
    %dma_start3A_660 = arith.constant 0 : i32
    %dma_start3A_661 = tpu.memref_slice %arg6[%dma_start3A_658, %dma_start3A_659, %dma_start3A_660] : memref<7x128x128xf32, #tpu.memory_space<vmem>> -> memref<1x128x128xf32, #tpu.memory_space<vmem>>
    %dma_start3A_662 = tpu.memref_squeeze %dma_start3A_661 : memref<1x128x128xf32, #tpu.memory_space<vmem>> -> memref<128x128xf32, #tpu.memory_space<vmem>>
    %dma_start3A_663 = arith.constant 640 : i32
    %dma_start3A_664 = tpu.memref_slice %arg5[%dma_start3A_663] : memref<1024xi32, #tpu.memory_space<vmem>> -> memref<128xi32, #tpu.memory_space<vmem>>
    %dma_start3A_665 = arith.constant 0 : i32
    %dma_start3A_666 = arith.constant 0 : i32
    %dma_start3A_667 = tpu.memref_slice %arg2[%dma_start3A_665, %dma_start3A_666] : memref<800000x128xf32, #tpu.memory_space<hbm>> -> memref<800000x128xf32, #tpu.memory_space<hbm>>
    tpu.enqueue_indirect_dma source(%dma_start3A_667 : memref<800000x128xf32, #tpu.memory_space<hbm>>) target(%dma_start3A_662 : memref<128x128xf32, #tpu.memory_space<vmem>>) offsets(%dma_start3A_664 : memref<128xi32, #tpu.memory_space<vmem>>) semaphore(%arg12 : memref<!tpu.dma_semaphore, #tpu.memory_space<semaphore_mem>>)
    %dma_start3A_668 = arith.constant 6 : i32
    %dma_start3A_669 = arith.constant 0 : i32
    %dma_start3A_670 = arith.constant 0 : i32
    %dma_start3A_671 = tpu.memref_slice %arg6[%dma_start3A_668, %dma_start3A_669, %dma_start3A_670] : memref<7x128x128xf32, #tpu.memory_space<vmem>> -> memref<1x128x128xf32, #tpu.memory_space<vmem>>
    %dma_start3A_672 = tpu.memref_squeeze %dma_start3A_671 : memref<1x128x128xf32, #tpu.memory_space<vmem>> -> memref<128x128xf32, #tpu.memory_space<vmem>>
    %dma_start3A_673 = arith.constant 768 : i32
    %dma_start3A_674 = tpu.memref_slice %arg5[%dma_start3A_673] : memref<1024xi32, #tpu.memory_space<vmem>> -> memref<128xi32, #tpu.memory_space<vmem>>
    %dma_start3A_675 = arith.constant 0 : i32
    %dma_start3A_676 = arith.constant 0 : i32
    %dma_start3A_677 = tpu.memref_slice %arg2[%dma_start3A_675, %dma_start3A_676] : memref<800000x128xf32, #tpu.memory_space<hbm>> -> memref<800000x128xf32, #tpu.memory_space<hbm>>
    tpu.enqueue_indirect_dma source(%dma_start3A_677 : memref<800000x128xf32, #tpu.memory_space<hbm>>) target(%dma_start3A_672 : memref<128x128xf32, #tpu.memory_space<vmem>>) offsets(%dma_start3A_674 : memref<128xi32, #tpu.memory_space<vmem>>) semaphore(%arg13 : memref<!tpu.dma_semaphore, #tpu.memory_space<semaphore_mem>>)
    %dma_wait3A = arith.constant 0 : i32
    %dma_wait3A_678 = arith.constant 0 : i32
    %dma_wait3A_679 = arith.constant 0 : i32
    %dma_wait3A_680 = tpu.memref_slice %arg6[%dma_wait3A, %dma_wait3A_678, %dma_wait3A_679] : memref<7x128x128xf32, #tpu.memory_space<vmem>> -> memref<1x128x128xf32, #tpu.memory_space<vmem>>
    %dma_wait3A_681 = tpu.memref_squeeze %dma_wait3A_680 : memref<1x128x128xf32, #tpu.memory_space<vmem>> -> memref<128x128xf32, #tpu.memory_space<vmem>>
    %dma_wait3A_682 = arith.constant 0 : i32
    %dma_wait3A_683 = tpu.memref_slice %arg5[%dma_wait3A_682] : memref<1024xi32, #tpu.memory_space<vmem>> -> memref<128xi32, #tpu.memory_space<vmem>>
    %dma_wait3A_684 = arith.constant 0 : i32
    %dma_wait3A_685 = arith.constant 0 : i32
    %dma_wait3A_686 = tpu.memref_slice %arg2[%dma_wait3A_684, %dma_wait3A_685] : memref<800000x128xf32, #tpu.memory_space<hbm>> -> memref<800000x128xf32, #tpu.memory_space<hbm>>
    tpu.wait_indirect_dma semaphore(%arg7 : memref<!tpu.dma_semaphore, #tpu.memory_space<semaphore_mem>>) src(%dma_wait3A_686 : memref<800000x128xf32, #tpu.memory_space<hbm>>) dst(%dma_wait3A_681 : memref<128x128xf32, #tpu.memory_space<vmem>>)
    %add3A_687 = arith.constant 0 : i32
    %add3A_688 = arith.addi %mul3A_2, %add3A_687 : i32
    %dma_start3A_689 = arith.constant 0 : i32
    %dma_start3A_690 = arith.constant 0 : i32
    %dma_start3A_691 = arith.constant 0 : i32
    %dma_start3A_692 = tpu.memref_slice %arg6[%dma_start3A_689, %dma_start3A_690, %dma_start3A_691] : memref<7x128x128xf32, #tpu.memory_space<vmem>> -> memref<1x128x128xf32, #tpu.memory_space<vmem>>
    %dma_start3A_693 = tpu.memref_squeeze %dma_start3A_692 : memref<1x128x128xf32, #tpu.memory_space<vmem>> -> memref<128x128xf32, #tpu.memory_space<vmem>>
    %dma_start3A_694 = arith.constant 0 : i32
    %dma_start3A_695 = tpu.memref_slice %arg4[%add3A_688, %dma_start3A_694] : memref<32768x128xf32, #tpu.memory_space<hbm>> -> memref<128x128xf32, #tpu.memory_space<hbm>>
    %dma_start3A_696 = arith.constant 0 : i32
    %dma_start3A_697 = tpu.memref_slice %arg4[%add3A_688, %dma_start3A_696] : memref<32768x128xf32, #tpu.memory_space<hbm>> -> memref<128x128xf32, #tpu.memory_space<hbm>>
    %dma_start3A_698 = arith.constant 0 : i32
    %dma_start3A_699 = arith.constant 0 : i32
    %dma_start3A_700 = tpu.memref_slice %arg6[%dma_start3A_689, %dma_start3A_698, %dma_start3A_699] : memref<7x128x128xf32, #tpu.memory_space<vmem>> -> memref<1x128x128xf32, #tpu.memory_space<vmem>>
    %dma_start3A_701 = tpu.memref_squeeze %dma_start3A_700 : memref<1x128x128xf32, #tpu.memory_space<vmem>> -> memref<128x128xf32, #tpu.memory_space<vmem>>
    tpu.enqueue_dma source(%dma_start3A_701 : memref<128x128xf32, #tpu.memory_space<vmem>>) target(%dma_start3A_697 : memref<128x128xf32, #tpu.memory_space<hbm>>) target_semaphore(%arg14 : memref<!tpu.dma_semaphore, #tpu.memory_space<semaphore_mem>>)
    %dma_wait3A_702 = arith.constant 0 : i32
    %dma_wait3A_703 = arith.constant 0 : i32
    %dma_wait3A_704 = arith.constant 0 : i32
    %dma_wait3A_705 = tpu.memref_slice %arg6[%dma_wait3A_702, %dma_wait3A_703, %dma_wait3A_704] : memref<7x128x128xf32, #tpu.memory_space<vmem>> -> memref<1x128x128xf32, #tpu.memory_space<vmem>>
    %dma_wait3A_706 = tpu.memref_squeeze %dma_wait3A_705 : memref<1x128x128xf32, #tpu.memory_space<vmem>> -> memref<128x128xf32, #tpu.memory_space<vmem>>
    %dma_wait3A_707 = arith.constant 0 : i32
    %dma_wait3A_708 = tpu.memref_slice %arg4[%add3A_688, %dma_wait3A_707] : memref<32768x128xf32, #tpu.memory_space<hbm>> -> memref<128x128xf32, #tpu.memory_space<hbm>>
    %dma_wait3A_709 = arith.constant 0 : i32
    %dma_wait3A_710 = tpu.memref_slice %arg4[%add3A_688, %dma_wait3A_709] : memref<32768x128xf32, #tpu.memory_space<hbm>> -> memref<128x128xf32, #tpu.memory_space<hbm>>
    %dma_wait3A_711 = arith.constant 0 : i32
    %dma_wait3A_712 = arith.constant 0 : i32
    %dma_wait3A_713 = tpu.memref_slice %arg6[%dma_wait3A_702, %dma_wait3A_711, %dma_wait3A_712] : memref<7x128x128xf32, #tpu.memory_space<vmem>> -> memref<1x128x128xf32, #tpu.memory_space<vmem>>
    %dma_wait3A_714 = tpu.memref_squeeze %dma_wait3A_713 : memref<1x128x128xf32, #tpu.memory_space<vmem>> -> memref<128x128xf32, #tpu.memory_space<vmem>>
    tpu.wait_dma2 semaphore(%arg14 : memref<!tpu.dma_semaphore, #tpu.memory_space<semaphore_mem>>) src(%dma_wait3A_714 : memref<128x128xf32, #tpu.memory_space<vmem>>) dst(%dma_wait3A_710 : memref<128x128xf32, #tpu.memory_space<hbm>>)
    %dma_start3A_715 = arith.constant 0 : i32
    %dma_start3A_716 = arith.constant 0 : i32
    %dma_start3A_717 = arith.constant 0 : i32
    %dma_start3A_718 = tpu.memref_slice %arg6[%dma_start3A_715, %dma_start3A_716, %dma_start3A_717] : memref<7x128x128xf32, #tpu.memory_space<vmem>> -> memref<1x128x128xf32, #tpu.memory_space<vmem>>
    %dma_start3A_719 = tpu.memref_squeeze %dma_start3A_718 : memref<1x128x128xf32, #tpu.memory_space<vmem>> -> memref<128x128xf32, #tpu.memory_space<vmem>>
    %dma_start3A_720 = arith.constant 896 : i32
    %dma_start3A_721 = tpu.memref_slice %arg5[%dma_start3A_720] : memref<1024xi32, #tpu.memory_space<vmem>> -> memref<128xi32, #tpu.memory_space<vmem>>
    %dma_start3A_722 = arith.constant 0 : i32
    %dma_start3A_723 = arith.constant 0 : i32
    %dma_start3A_724 = tpu.memref_slice %arg2[%dma_start3A_722, %dma_start3A_723] : memref<800000x128xf32, #tpu.memory_space<hbm>> -> memref<800000x128xf32, #tpu.memory_space<hbm>>
    tpu.enqueue_indirect_dma source(%dma_start3A_724 : memref<800000x128xf32, #tpu.memory_space<hbm>>) target(%dma_start3A_719 : memref<128x128xf32, #tpu.memory_space<vmem>>) offsets(%dma_start3A_721 : memref<128xi32, #tpu.memory_space<vmem>>) semaphore(%arg7 : memref<!tpu.dma_semaphore, #tpu.memory_space<semaphore_mem>>)
    %dma_wait3A_725 = arith.constant 1 : i32
    %dma_wait3A_726 = arith.constant 0 : i32
    %dma_wait3A_727 = arith.constant 0 : i32
    %dma_wait3A_728 = tpu.memref_slice %arg6[%dma_wait3A_725, %dma_wait3A_726, %dma_wait3A_727] : memref<7x128x128xf32, #tpu.memory_space<vmem>> -> memref<1x128x128xf32, #tpu.memory_space<vmem>>
    %dma_wait3A_729 = tpu.memref_squeeze %dma_wait3A_728 : memref<1x128x128xf32, #tpu.memory_space<vmem>> -> memref<128x128xf32, #tpu.memory_space<vmem>>
    %dma_wait3A_730 = arith.constant 128 : i32
    %dma_wait3A_731 = tpu.memref_slice %arg5[%dma_wait3A_730] : memref<1024xi32, #tpu.memory_space<vmem>> -> memref<128xi32, #tpu.memory_space<vmem>>
    %dma_wait3A_732 = arith.constant 0 : i32
    %dma_wait3A_733 = arith.constant 0 : i32
    %dma_wait3A_734 = tpu.memref_slice %arg2[%dma_wait3A_732, %dma_wait3A_733] : memref<800000x128xf32, #tpu.memory_space<hbm>> -> memref<800000x128xf32, #tpu.memory_space<hbm>>
    tpu.wait_indirect_dma semaphore(%arg8 : memref<!tpu.dma_semaphore, #tpu.memory_space<semaphore_mem>>) src(%dma_wait3A_734 : memref<800000x128xf32, #tpu.memory_space<hbm>>) dst(%dma_wait3A_729 : memref<128x128xf32, #tpu.memory_space<vmem>>)
    %add3A_735 = arith.constant 128 : i32
    %add3A_736 = arith.addi %mul3A_2, %add3A_735 : i32
    %dma_start3A_737 = arith.constant 1 : i32
    %dma_start3A_738 = arith.constant 0 : i32
    %dma_start3A_739 = arith.constant 0 : i32
    %dma_start3A_740 = tpu.memref_slice %arg6[%dma_start3A_737, %dma_start3A_738, %dma_start3A_739] : memref<7x128x128xf32, #tpu.memory_space<vmem>> -> memref<1x128x128xf32, #tpu.memory_space<vmem>>
    %dma_start3A_741 = tpu.memref_squeeze %dma_start3A_740 : memref<1x128x128xf32, #tpu.memory_space<vmem>> -> memref<128x128xf32, #tpu.memory_space<vmem>>
    %dma_start3A_742 = arith.constant 0 : i32
    %dma_start3A_743 = tpu.memref_slice %arg4[%add3A_736, %dma_start3A_742] : memref<32768x128xf32, #tpu.memory_space<hbm>> -> memref<128x128xf32, #tpu.memory_space<hbm>>
    %dma_start3A_744 = arith.constant 0 : i32
    %dma_start3A_745 = tpu.memref_slice %arg4[%add3A_736, %dma_start3A_744] : memref<32768x128xf32, #tpu.memory_space<hbm>> -> memref<128x128xf32, #tpu.memory_space<hbm>>
    %dma_start3A_746 = arith.constant 0 : i32
    %dma_start3A_747 = arith.constant 0 : i32
    %dma_start3A_748 = tpu.memref_slice %arg6[%dma_start3A_737, %dma_start3A_746, %dma_start3A_747] : memref<7x128x128xf32, #tpu.memory_space<vmem>> -> memref<1x128x128xf32, #tpu.memory_space<vmem>>
    %dma_start3A_749 = tpu.memref_squeeze %dma_start3A_748 : memref<1x128x128xf32, #tpu.memory_space<vmem>> -> memref<128x128xf32, #tpu.memory_space<vmem>>
    tpu.enqueue_dma source(%dma_start3A_749 : memref<128x128xf32, #tpu.memory_space<vmem>>) target(%dma_start3A_745 : memref<128x128xf32, #tpu.memory_space<hbm>>) target_semaphore(%arg15 : memref<!tpu.dma_semaphore, #tpu.memory_space<semaphore_mem>>)
    %dma_wait3A_750 = arith.constant 2 : i32
    %dma_wait3A_751 = arith.constant 0 : i32
    %dma_wait3A_752 = arith.constant 0 : i32
    %dma_wait3A_753 = tpu.memref_slice %arg6[%dma_wait3A_750, %dma_wait3A_751, %dma_wait3A_752] : memref<7x128x128xf32, #tpu.memory_space<vmem>> -> memref<1x128x128xf32, #tpu.memory_space<vmem>>
    %dma_wait3A_754 = tpu.memref_squeeze %dma_wait3A_753 : memref<1x128x128xf32, #tpu.memory_space<vmem>> -> memref<128x128xf32, #tpu.memory_space<vmem>>
    %dma_wait3A_755 = arith.constant 256 : i32
    %dma_wait3A_756 = tpu.memref_slice %arg5[%dma_wait3A_755] : memref<1024xi32, #tpu.memory_space<vmem>> -> memref<128xi32, #tpu.memory_space<vmem>>
    %dma_wait3A_757 = arith.constant 0 : i32
    %dma_wait3A_758 = arith.constant 0 : i32
    %dma_wait3A_759 = tpu.memref_slice %arg2[%dma_wait3A_757, %dma_wait3A_758] : memref<800000x128xf32, #tpu.memory_space<hbm>> -> memref<800000x128xf32, #tpu.memory_space<hbm>>
    tpu.wait_indirect_dma semaphore(%arg9 : memref<!tpu.dma_semaphore, #tpu.memory_space<semaphore_mem>>) src(%dma_wait3A_759 : memref<800000x128xf32, #tpu.memory_space<hbm>>) dst(%dma_wait3A_754 : memref<128x128xf32, #tpu.memory_space<vmem>>)
    %add3A_760 = arith.constant 256 : i32
    %add3A_761 = arith.addi %mul3A_2, %add3A_760 : i32
    %dma_start3A_762 = arith.constant 2 : i32
    %dma_start3A_763 = arith.constant 0 : i32
    %dma_start3A_764 = arith.constant 0 : i32
    %dma_start3A_765 = tpu.memref_slice %arg6[%dma_start3A_762, %dma_start3A_763, %dma_start3A_764] : memref<7x128x128xf32, #tpu.memory_space<vmem>> -> memref<1x128x128xf32, #tpu.memory_space<vmem>>
    %dma_start3A_766 = tpu.memref_squeeze %dma_start3A_765 : memref<1x128x128xf32, #tpu.memory_space<vmem>> -> memref<128x128xf32, #tpu.memory_space<vmem>>
    %dma_start3A_767 = arith.constant 0 : i32
    %dma_start3A_768 = tpu.memref_slice %arg4[%add3A_761, %dma_start3A_767] : memref<32768x128xf32, #tpu.memory_space<hbm>> -> memref<128x128xf32, #tpu.memory_space<hbm>>
    %dma_start3A_769 = arith.constant 0 : i32
    %dma_start3A_770 = tpu.memref_slice %arg4[%add3A_761, %dma_start3A_769] : memref<32768x128xf32, #tpu.memory_space<hbm>> -> memref<128x128xf32, #tpu.memory_space<hbm>>
    %dma_start3A_771 = arith.constant 0 : i32
    %dma_start3A_772 = arith.constant 0 : i32
    %dma_start3A_773 = tpu.memref_slice %arg6[%dma_start3A_762, %dma_start3A_771, %dma_start3A_772] : memref<7x128x128xf32, #tpu.memory_space<vmem>> -> memref<1x128x128xf32, #tpu.memory_space<vmem>>
    %dma_start3A_774 = tpu.memref_squeeze %dma_start3A_773 : memref<1x128x128xf32, #tpu.memory_space<vmem>> -> memref<128x128xf32, #tpu.memory_space<vmem>>
    tpu.enqueue_dma source(%dma_start3A_774 : memref<128x128xf32, #tpu.memory_space<vmem>>) target(%dma_start3A_770 : memref<128x128xf32, #tpu.memory_space<hbm>>) target_semaphore(%arg16 : memref<!tpu.dma_semaphore, #tpu.memory_space<semaphore_mem>>)
    %dma_wait3A_775 = arith.constant 3 : i32
    %dma_wait3A_776 = arith.constant 0 : i32
    %dma_wait3A_777 = arith.constant 0 : i32
    %dma_wait3A_778 = tpu.memref_slice %arg6[%dma_wait3A_775, %dma_wait3A_776, %dma_wait3A_777] : memref<7x128x128xf32, #tpu.memory_space<vmem>> -> memref<1x128x128xf32, #tpu.memory_space<vmem>>
    %dma_wait3A_779 = tpu.memref_squeeze %dma_wait3A_778 : memref<1x128x128xf32, #tpu.memory_space<vmem>> -> memref<128x128xf32, #tpu.memory_space<vmem>>
    %dma_wait3A_780 = arith.constant 384 : i32
    %dma_wait3A_781 = tpu.memref_slice %arg5[%dma_wait3A_780] : memref<1024xi32, #tpu.memory_space<vmem>> -> memref<128xi32, #tpu.memory_space<vmem>>
    %dma_wait3A_782 = arith.constant 0 : i32
    %dma_wait3A_783 = arith.constant 0 : i32
    %dma_wait3A_784 = tpu.memref_slice %arg2[%dma_wait3A_782, %dma_wait3A_783] : memref<800000x128xf32, #tpu.memory_space<hbm>> -> memref<800000x128xf32, #tpu.memory_space<hbm>>
    tpu.wait_indirect_dma semaphore(%arg10 : memref<!tpu.dma_semaphore, #tpu.memory_space<semaphore_mem>>) src(%dma_wait3A_784 : memref<800000x128xf32, #tpu.memory_space<hbm>>) dst(%dma_wait3A_779 : memref<128x128xf32, #tpu.memory_space<vmem>>)
    %add3A_785 = arith.constant 384 : i32
    %add3A_786 = arith.addi %mul3A_2, %add3A_785 : i32
    %dma_start3A_787 = arith.constant 3 : i32
    %dma_start3A_788 = arith.constant 0 : i32
    %dma_start3A_789 = arith.constant 0 : i32
    %dma_start3A_790 = tpu.memref_slice %arg6[%dma_start3A_787, %dma_start3A_788, %dma_start3A_789] : memref<7x128x128xf32, #tpu.memory_space<vmem>> -> memref<1x128x128xf32, #tpu.memory_space<vmem>>
    %dma_start3A_791 = tpu.memref_squeeze %dma_start3A_790 : memref<1x128x128xf32, #tpu.memory_space<vmem>> -> memref<128x128xf32, #tpu.memory_space<vmem>>
    %dma_start3A_792 = arith.constant 0 : i32
    %dma_start3A_793 = tpu.memref_slice %arg4[%add3A_786, %dma_start3A_792] : memref<32768x128xf32, #tpu.memory_space<hbm>> -> memref<128x128xf32, #tpu.memory_space<hbm>>
    %dma_start3A_794 = arith.constant 0 : i32
    %dma_start3A_795 = tpu.memref_slice %arg4[%add3A_786, %dma_start3A_794] : memref<32768x128xf32, #tpu.memory_space<hbm>> -> memref<128x128xf32, #tpu.memory_space<hbm>>
    %dma_start3A_796 = arith.constant 0 : i32
    %dma_start3A_797 = arith.constant 0 : i32
    %dma_start3A_798 = tpu.memref_slice %arg6[%dma_start3A_787, %dma_start3A_796, %dma_start3A_797] : memref<7x128x128xf32, #tpu.memory_space<vmem>> -> memref<1x128x128xf32, #tpu.memory_space<vmem>>
    %dma_start3A_799 = tpu.memref_squeeze %dma_start3A_798 : memref<1x128x128xf32, #tpu.memory_space<vmem>> -> memref<128x128xf32, #tpu.memory_space<vmem>>
    tpu.enqueue_dma source(%dma_start3A_799 : memref<128x128xf32, #tpu.memory_space<vmem>>) target(%dma_start3A_795 : memref<128x128xf32, #tpu.memory_space<hbm>>) target_semaphore(%arg17 : memref<!tpu.dma_semaphore, #tpu.memory_space<semaphore_mem>>)
    %dma_wait3A_800 = arith.constant 4 : i32
    %dma_wait3A_801 = arith.constant 0 : i32
    %dma_wait3A_802 = arith.constant 0 : i32
    %dma_wait3A_803 = tpu.memref_slice %arg6[%dma_wait3A_800, %dma_wait3A_801, %dma_wait3A_802] : memref<7x128x128xf32, #tpu.memory_space<vmem>> -> memref<1x128x128xf32, #tpu.memory_space<vmem>>
    %dma_wait3A_804 = tpu.memref_squeeze %dma_wait3A_803 : memref<1x128x128xf32, #tpu.memory_space<vmem>> -> memref<128x128xf32, #tpu.memory_space<vmem>>
    %dma_wait3A_805 = arith.constant 512 : i32
    %dma_wait3A_806 = tpu.memref_slice %arg5[%dma_wait3A_805] : memref<1024xi32, #tpu.memory_space<vmem>> -> memref<128xi32, #tpu.memory_space<vmem>>
    %dma_wait3A_807 = arith.constant 0 : i32
    %dma_wait3A_808 = arith.constant 0 : i32
    %dma_wait3A_809 = tpu.memref_slice %arg2[%dma_wait3A_807, %dma_wait3A_808] : memref<800000x128xf32, #tpu.memory_space<hbm>> -> memref<800000x128xf32, #tpu.memory_space<hbm>>
    tpu.wait_indirect_dma semaphore(%arg11 : memref<!tpu.dma_semaphore, #tpu.memory_space<semaphore_mem>>) src(%dma_wait3A_809 : memref<800000x128xf32, #tpu.memory_space<hbm>>) dst(%dma_wait3A_804 : memref<128x128xf32, #tpu.memory_space<vmem>>)
    %add3A_810 = arith.constant 512 : i32
    %add3A_811 = arith.addi %mul3A_2, %add3A_810 : i32
    %dma_start3A_812 = arith.constant 4 : i32
    %dma_start3A_813 = arith.constant 0 : i32
    %dma_start3A_814 = arith.constant 0 : i32
    %dma_start3A_815 = tpu.memref_slice %arg6[%dma_start3A_812, %dma_start3A_813, %dma_start3A_814] : memref<7x128x128xf32, #tpu.memory_space<vmem>> -> memref<1x128x128xf32, #tpu.memory_space<vmem>>
    %dma_start3A_816 = tpu.memref_squeeze %dma_start3A_815 : memref<1x128x128xf32, #tpu.memory_space<vmem>> -> memref<128x128xf32, #tpu.memory_space<vmem>>
    %dma_start3A_817 = arith.constant 0 : i32
    %dma_start3A_818 = tpu.memref_slice %arg4[%add3A_811, %dma_start3A_817] : memref<32768x128xf32, #tpu.memory_space<hbm>> -> memref<128x128xf32, #tpu.memory_space<hbm>>
    %dma_start3A_819 = arith.constant 0 : i32
    %dma_start3A_820 = tpu.memref_slice %arg4[%add3A_811, %dma_start3A_819] : memref<32768x128xf32, #tpu.memory_space<hbm>> -> memref<128x128xf32, #tpu.memory_space<hbm>>
    %dma_start3A_821 = arith.constant 0 : i32
    %dma_start3A_822 = arith.constant 0 : i32
    %dma_start3A_823 = tpu.memref_slice %arg6[%dma_start3A_812, %dma_start3A_821, %dma_start3A_822] : memref<7x128x128xf32, #tpu.memory_space<vmem>> -> memref<1x128x128xf32, #tpu.memory_space<vmem>>
    %dma_start3A_824 = tpu.memref_squeeze %dma_start3A_823 : memref<1x128x128xf32, #tpu.memory_space<vmem>> -> memref<128x128xf32, #tpu.memory_space<vmem>>
    tpu.enqueue_dma source(%dma_start3A_824 : memref<128x128xf32, #tpu.memory_space<vmem>>) target(%dma_start3A_820 : memref<128x128xf32, #tpu.memory_space<hbm>>) target_semaphore(%arg18 : memref<!tpu.dma_semaphore, #tpu.memory_space<semaphore_mem>>)
    %dma_wait3A_825 = arith.constant 5 : i32
    %dma_wait3A_826 = arith.constant 0 : i32
    %dma_wait3A_827 = arith.constant 0 : i32
    %dma_wait3A_828 = tpu.memref_slice %arg6[%dma_wait3A_825, %dma_wait3A_826, %dma_wait3A_827] : memref<7x128x128xf32, #tpu.memory_space<vmem>> -> memref<1x128x128xf32, #tpu.memory_space<vmem>>
    %dma_wait3A_829 = tpu.memref_squeeze %dma_wait3A_828 : memref<1x128x128xf32, #tpu.memory_space<vmem>> -> memref<128x128xf32, #tpu.memory_space<vmem>>
    %dma_wait3A_830 = arith.constant 640 : i32
    %dma_wait3A_831 = tpu.memref_slice %arg5[%dma_wait3A_830] : memref<1024xi32, #tpu.memory_space<vmem>> -> memref<128xi32, #tpu.memory_space<vmem>>
    %dma_wait3A_832 = arith.constant 0 : i32
    %dma_wait3A_833 = arith.constant 0 : i32
    %dma_wait3A_834 = tpu.memref_slice %arg2[%dma_wait3A_832, %dma_wait3A_833] : memref<800000x128xf32, #tpu.memory_space<hbm>> -> memref<800000x128xf32, #tpu.memory_space<hbm>>
    tpu.wait_indirect_dma semaphore(%arg12 : memref<!tpu.dma_semaphore, #tpu.memory_space<semaphore_mem>>) src(%dma_wait3A_834 : memref<800000x128xf32, #tpu.memory_space<hbm>>) dst(%dma_wait3A_829 : memref<128x128xf32, #tpu.memory_space<vmem>>)
    %add3A_835 = arith.constant 640 : i32
    %add3A_836 = arith.addi %mul3A_2, %add3A_835 : i32
    %dma_start3A_837 = arith.constant 5 : i32
    %dma_start3A_838 = arith.constant 0 : i32
    %dma_start3A_839 = arith.constant 0 : i32
    %dma_start3A_840 = tpu.memref_slice %arg6[%dma_start3A_837, %dma_start3A_838, %dma_start3A_839] : memref<7x128x128xf32, #tpu.memory_space<vmem>> -> memref<1x128x128xf32, #tpu.memory_space<vmem>>
    %dma_start3A_841 = tpu.memref_squeeze %dma_start3A_840 : memref<1x128x128xf32, #tpu.memory_space<vmem>> -> memref<128x128xf32, #tpu.memory_space<vmem>>
    %dma_start3A_842 = arith.constant 0 : i32
    %dma_start3A_843 = tpu.memref_slice %arg4[%add3A_836, %dma_start3A_842] : memref<32768x128xf32, #tpu.memory_space<hbm>> -> memref<128x128xf32, #tpu.memory_space<hbm>>
    %dma_start3A_844 = arith.constant 0 : i32
    %dma_start3A_845 = tpu.memref_slice %arg4[%add3A_836, %dma_start3A_844] : memref<32768x128xf32, #tpu.memory_space<hbm>> -> memref<128x128xf32, #tpu.memory_space<hbm>>
    %dma_start3A_846 = arith.constant 0 : i32
    %dma_start3A_847 = arith.constant 0 : i32
    %dma_start3A_848 = tpu.memref_slice %arg6[%dma_start3A_837, %dma_start3A_846, %dma_start3A_847] : memref<7x128x128xf32, #tpu.memory_space<vmem>> -> memref<1x128x128xf32, #tpu.memory_space<vmem>>
    %dma_start3A_849 = tpu.memref_squeeze %dma_start3A_848 : memref<1x128x128xf32, #tpu.memory_space<vmem>> -> memref<128x128xf32, #tpu.memory_space<vmem>>
    tpu.enqueue_dma source(%dma_start3A_849 : memref<128x128xf32, #tpu.memory_space<vmem>>) target(%dma_start3A_845 : memref<128x128xf32, #tpu.memory_space<hbm>>) target_semaphore(%arg19 : memref<!tpu.dma_semaphore, #tpu.memory_space<semaphore_mem>>)
    %dma_wait3A_850 = arith.constant 6 : i32
    %dma_wait3A_851 = arith.constant 0 : i32
    %dma_wait3A_852 = arith.constant 0 : i32
    %dma_wait3A_853 = tpu.memref_slice %arg6[%dma_wait3A_850, %dma_wait3A_851, %dma_wait3A_852] : memref<7x128x128xf32, #tpu.memory_space<vmem>> -> memref<1x128x128xf32, #tpu.memory_space<vmem>>
    %dma_wait3A_854 = tpu.memref_squeeze %dma_wait3A_853 : memref<1x128x128xf32, #tpu.memory_space<vmem>> -> memref<128x128xf32, #tpu.memory_space<vmem>>
    %dma_wait3A_855 = arith.constant 768 : i32
    %dma_wait3A_856 = tpu.memref_slice %arg5[%dma_wait3A_855] : memref<1024xi32, #tpu.memory_space<vmem>> -> memref<128xi32, #tpu.memory_space<vmem>>
    %dma_wait3A_857 = arith.constant 0 : i32
    %dma_wait3A_858 = arith.constant 0 : i32
    %dma_wait3A_859 = tpu.memref_slice %arg2[%dma_wait3A_857, %dma_wait3A_858] : memref<800000x128xf32, #tpu.memory_space<hbm>> -> memref<800000x128xf32, #tpu.memory_space<hbm>>
    tpu.wait_indirect_dma semaphore(%arg13 : memref<!tpu.dma_semaphore, #tpu.memory_space<semaphore_mem>>) src(%dma_wait3A_859 : memref<800000x128xf32, #tpu.memory_space<hbm>>) dst(%dma_wait3A_854 : memref<128x128xf32, #tpu.memory_space<vmem>>)
    %add3A_860 = arith.constant 768 : i32
    %add3A_861 = arith.addi %mul3A_2, %add3A_860 : i32
    %dma_start3A_862 = arith.constant 6 : i32
    %dma_start3A_863 = arith.constant 0 : i32
    %dma_start3A_864 = arith.constant 0 : i32
    %dma_start3A_865 = tpu.memref_slice %arg6[%dma_start3A_862, %dma_start3A_863, %dma_start3A_864] : memref<7x128x128xf32, #tpu.memory_space<vmem>> -> memref<1x128x128xf32, #tpu.memory_space<vmem>>
    %dma_start3A_866 = tpu.memref_squeeze %dma_start3A_865 : memref<1x128x128xf32, #tpu.memory_space<vmem>> -> memref<128x128xf32, #tpu.memory_space<vmem>>
    %dma_start3A_867 = arith.constant 0 : i32
    %dma_start3A_868 = tpu.memref_slice %arg4[%add3A_861, %dma_start3A_867] : memref<32768x128xf32, #tpu.memory_space<hbm>> -> memref<128x128xf32, #tpu.memory_space<hbm>>
    %dma_start3A_869 = arith.constant 0 : i32
    %dma_start3A_870 = tpu.memref_slice %arg4[%add3A_861, %dma_start3A_869] : memref<32768x128xf32, #tpu.memory_space<hbm>> -> memref<128x128xf32, #tpu.memory_space<hbm>>
    %dma_start3A_871 = arith.constant 0 : i32
    %dma_start3A_872 = arith.constant 0 : i32
    %dma_start3A_873 = tpu.memref_slice %arg6[%dma_start3A_862, %dma_start3A_871, %dma_start3A_872] : memref<7x128x128xf32, #tpu.memory_space<vmem>> -> memref<1x128x128xf32, #tpu.memory_space<vmem>>
    %dma_start3A_874 = tpu.memref_squeeze %dma_start3A_873 : memref<1x128x128xf32, #tpu.memory_space<vmem>> -> memref<128x128xf32, #tpu.memory_space<vmem>>
    tpu.enqueue_dma source(%dma_start3A_874 : memref<128x128xf32, #tpu.memory_space<vmem>>) target(%dma_start3A_870 : memref<128x128xf32, #tpu.memory_space<hbm>>) target_semaphore(%arg20 : memref<!tpu.dma_semaphore, #tpu.memory_space<semaphore_mem>>)
    %dma_wait3A_875 = arith.constant 0 : i32
    %dma_wait3A_876 = arith.constant 0 : i32
    %dma_wait3A_877 = arith.constant 0 : i32
    %dma_wait3A_878 = tpu.memref_slice %arg6[%dma_wait3A_875, %dma_wait3A_876, %dma_wait3A_877] : memref<7x128x128xf32, #tpu.memory_space<vmem>> -> memref<1x128x128xf32, #tpu.memory_space<vmem>>
    %dma_wait3A_879 = tpu.memref_squeeze %dma_wait3A_878 : memref<1x128x128xf32, #tpu.memory_space<vmem>> -> memref<128x128xf32, #tpu.memory_space<vmem>>
    %dma_wait3A_880 = arith.constant 896 : i32
    %dma_wait3A_881 = tpu.memref_slice %arg5[%dma_wait3A_880] : memref<1024xi32, #tpu.memory_space<vmem>> -> memref<128xi32, #tpu.memory_space<vmem>>
    %dma_wait3A_882 = arith.constant 0 : i32
    %dma_wait3A_883 = arith.constant 0 : i32
    %dma_wait3A_884 = tpu.memref_slice %arg2[%dma_wait3A_882, %dma_wait3A_883] : memref<800000x128xf32, #tpu.memory_space<hbm>> -> memref<800000x128xf32, #tpu.memory_space<hbm>>
    tpu.wait_indirect_dma semaphore(%arg7 : memref<!tpu.dma_semaphore, #tpu.memory_space<semaphore_mem>>) src(%dma_wait3A_884 : memref<800000x128xf32, #tpu.memory_space<hbm>>) dst(%dma_wait3A_879 : memref<128x128xf32, #tpu.memory_space<vmem>>)
    %add3A_885 = arith.constant 896 : i32
    %add3A_886 = arith.addi %mul3A_2, %add3A_885 : i32
    %dma_start3A_887 = arith.constant 0 : i32
    %dma_start3A_888 = arith.constant 0 : i32
    %dma_start3A_889 = arith.constant 0 : i32
    %dma_start3A_890 = tpu.memref_slice %arg6[%dma_start3A_887, %dma_start3A_888, %dma_start3A_889] : memref<7x128x128xf32, #tpu.memory_space<vmem>> -> memref<1x128x128xf32, #tpu.memory_space<vmem>>
    %dma_start3A_891 = tpu.memref_squeeze %dma_start3A_890 : memref<1x128x128xf32, #tpu.memory_space<vmem>> -> memref<128x128xf32, #tpu.memory_space<vmem>>
    %dma_start3A_892 = arith.constant 0 : i32
    %dma_start3A_893 = tpu.memref_slice %arg4[%add3A_886, %dma_start3A_892] : memref<32768x128xf32, #tpu.memory_space<hbm>> -> memref<128x128xf32, #tpu.memory_space<hbm>>
    %dma_start3A_894 = arith.constant 0 : i32
    %dma_start3A_895 = tpu.memref_slice %arg4[%add3A_886, %dma_start3A_894] : memref<32768x128xf32, #tpu.memory_space<hbm>> -> memref<128x128xf32, #tpu.memory_space<hbm>>
    %dma_start3A_896 = arith.constant 0 : i32
    %dma_start3A_897 = arith.constant 0 : i32
    %dma_start3A_898 = tpu.memref_slice %arg6[%dma_start3A_887, %dma_start3A_896, %dma_start3A_897] : memref<7x128x128xf32, #tpu.memory_space<vmem>> -> memref<1x128x128xf32, #tpu.memory_space<vmem>>
    %dma_start3A_899 = tpu.memref_squeeze %dma_start3A_898 : memref<1x128x128xf32, #tpu.memory_space<vmem>> -> memref<128x128xf32, #tpu.memory_space<vmem>>
    tpu.enqueue_dma source(%dma_start3A_899 : memref<128x128xf32, #tpu.memory_space<vmem>>) target(%dma_start3A_895 : memref<128x128xf32, #tpu.memory_space<hbm>>) target_semaphore(%arg14 : memref<!tpu.dma_semaphore, #tpu.memory_space<semaphore_mem>>)
    %dma_wait3A_900 = arith.constant 1 : i32
    %dma_wait3A_901 = arith.constant 0 : i32
    %dma_wait3A_902 = arith.constant 0 : i32
    %dma_wait3A_903 = tpu.memref_slice %arg6[%dma_wait3A_900, %dma_wait3A_901, %dma_wait3A_902] : memref<7x128x128xf32, #tpu.memory_space<vmem>> -> memref<1x128x128xf32, #tpu.memory_space<vmem>>
    %dma_wait3A_904 = tpu.memref_squeeze %dma_wait3A_903 : memref<1x128x128xf32, #tpu.memory_space<vmem>> -> memref<128x128xf32, #tpu.memory_space<vmem>>
    %dma_wait3A_905 = arith.constant 0 : i32
    %dma_wait3A_906 = tpu.memref_slice %arg4[%add3A_736, %dma_wait3A_905] : memref<32768x128xf32, #tpu.memory_space<hbm>> -> memref<128x128xf32, #tpu.memory_space<hbm>>
    %dma_wait3A_907 = arith.constant 0 : i32
    %dma_wait3A_908 = tpu.memref_slice %arg4[%add3A_736, %dma_wait3A_907] : memref<32768x128xf32, #tpu.memory_space<hbm>> -> memref<128x128xf32, #tpu.memory_space<hbm>>
    %dma_wait3A_909 = arith.constant 0 : i32
    %dma_wait3A_910 = arith.constant 0 : i32
    %dma_wait3A_911 = tpu.memref_slice %arg6[%dma_wait3A_900, %dma_wait3A_909, %dma_wait3A_910] : memref<7x128x128xf32, #tpu.memory_space<vmem>> -> memref<1x128x128xf32, #tpu.memory_space<vmem>>
    %dma_wait3A_912 = tpu.memref_squeeze %dma_wait3A_911 : memref<1x128x128xf32, #tpu.memory_space<vmem>> -> memref<128x128xf32, #tpu.memory_space<vmem>>
    tpu.wait_dma2 semaphore(%arg15 : memref<!tpu.dma_semaphore, #tpu.memory_space<semaphore_mem>>) src(%dma_wait3A_912 : memref<128x128xf32, #tpu.memory_space<vmem>>) dst(%dma_wait3A_908 : memref<128x128xf32, #tpu.memory_space<hbm>>)
    %dma_wait3A_913 = arith.constant 2 : i32
    %dma_wait3A_914 = arith.constant 0 : i32
    %dma_wait3A_915 = arith.constant 0 : i32
    %dma_wait3A_916 = tpu.memref_slice %arg6[%dma_wait3A_913, %dma_wait3A_914, %dma_wait3A_915] : memref<7x128x128xf32, #tpu.memory_space<vmem>> -> memref<1x128x128xf32, #tpu.memory_space<vmem>>
    %dma_wait3A_917 = tpu.memref_squeeze %dma_wait3A_916 : memref<1x128x128xf32, #tpu.memory_space<vmem>> -> memref<128x128xf32, #tpu.memory_space<vmem>>
    %dma_wait3A_918 = arith.constant 0 : i32
    %dma_wait3A_919 = tpu.memref_slice %arg4[%add3A_761, %dma_wait3A_918] : memref<32768x128xf32, #tpu.memory_space<hbm>> -> memref<128x128xf32, #tpu.memory_space<hbm>>
    %dma_wait3A_920 = arith.constant 0 : i32
    %dma_wait3A_921 = tpu.memref_slice %arg4[%add3A_761, %dma_wait3A_920] : memref<32768x128xf32, #tpu.memory_space<hbm>> -> memref<128x128xf32, #tpu.memory_space<hbm>>
    %dma_wait3A_922 = arith.constant 0 : i32
    %dma_wait3A_923 = arith.constant 0 : i32
    %dma_wait3A_924 = tpu.memref_slice %arg6[%dma_wait3A_913, %dma_wait3A_922, %dma_wait3A_923] : memref<7x128x128xf32, #tpu.memory_space<vmem>> -> memref<1x128x128xf32, #tpu.memory_space<vmem>>
    %dma_wait3A_925 = tpu.memref_squeeze %dma_wait3A_924 : memref<1x128x128xf32, #tpu.memory_space<vmem>> -> memref<128x128xf32, #tpu.memory_space<vmem>>
    tpu.wait_dma2 semaphore(%arg16 : memref<!tpu.dma_semaphore, #tpu.memory_space<semaphore_mem>>) src(%dma_wait3A_925 : memref<128x128xf32, #tpu.memory_space<vmem>>) dst(%dma_wait3A_921 : memref<128x128xf32, #tpu.memory_space<hbm>>)
    %dma_wait3A_926 = arith.constant 3 : i32
    %dma_wait3A_927 = arith.constant 0 : i32
    %dma_wait3A_928 = arith.constant 0 : i32
    %dma_wait3A_929 = tpu.memref_slice %arg6[%dma_wait3A_926, %dma_wait3A_927, %dma_wait3A_928] : memref<7x128x128xf32, #tpu.memory_space<vmem>> -> memref<1x128x128xf32, #tpu.memory_space<vmem>>
    %dma_wait3A_930 = tpu.memref_squeeze %dma_wait3A_929 : memref<1x128x128xf32, #tpu.memory_space<vmem>> -> memref<128x128xf32, #tpu.memory_space<vmem>>
    %dma_wait3A_931 = arith.constant 0 : i32
    %dma_wait3A_932 = tpu.memref_slice %arg4[%add3A_786, %dma_wait3A_931] : memref<32768x128xf32, #tpu.memory_space<hbm>> -> memref<128x128xf32, #tpu.memory_space<hbm>>
    %dma_wait3A_933 = arith.constant 0 : i32
    %dma_wait3A_934 = tpu.memref_slice %arg4[%add3A_786, %dma_wait3A_933] : memref<32768x128xf32, #tpu.memory_space<hbm>> -> memref<128x128xf32, #tpu.memory_space<hbm>>
    %dma_wait3A_935 = arith.constant 0 : i32
    %dma_wait3A_936 = arith.constant 0 : i32
    %dma_wait3A_937 = tpu.memref_slice %arg6[%dma_wait3A_926, %dma_wait3A_935, %dma_wait3A_936] : memref<7x128x128xf32, #tpu.memory_space<vmem>> -> memref<1x128x128xf32, #tpu.memory_space<vmem>>
    %dma_wait3A_938 = tpu.memref_squeeze %dma_wait3A_937 : memref<1x128x128xf32, #tpu.memory_space<vmem>> -> memref<128x128xf32, #tpu.memory_space<vmem>>
    tpu.wait_dma2 semaphore(%arg17 : memref<!tpu.dma_semaphore, #tpu.memory_space<semaphore_mem>>) src(%dma_wait3A_938 : memref<128x128xf32, #tpu.memory_space<vmem>>) dst(%dma_wait3A_934 : memref<128x128xf32, #tpu.memory_space<hbm>>)
    %dma_wait3A_939 = arith.constant 4 : i32
    %dma_wait3A_940 = arith.constant 0 : i32
    %dma_wait3A_941 = arith.constant 0 : i32
    %dma_wait3A_942 = tpu.memref_slice %arg6[%dma_wait3A_939, %dma_wait3A_940, %dma_wait3A_941] : memref<7x128x128xf32, #tpu.memory_space<vmem>> -> memref<1x128x128xf32, #tpu.memory_space<vmem>>
    %dma_wait3A_943 = tpu.memref_squeeze %dma_wait3A_942 : memref<1x128x128xf32, #tpu.memory_space<vmem>> -> memref<128x128xf32, #tpu.memory_space<vmem>>
    %dma_wait3A_944 = arith.constant 0 : i32
    %dma_wait3A_945 = tpu.memref_slice %arg4[%add3A_811, %dma_wait3A_944] : memref<32768x128xf32, #tpu.memory_space<hbm>> -> memref<128x128xf32, #tpu.memory_space<hbm>>
    %dma_wait3A_946 = arith.constant 0 : i32
    %dma_wait3A_947 = tpu.memref_slice %arg4[%add3A_811, %dma_wait3A_946] : memref<32768x128xf32, #tpu.memory_space<hbm>> -> memref<128x128xf32, #tpu.memory_space<hbm>>
    %dma_wait3A_948 = arith.constant 0 : i32
    %dma_wait3A_949 = arith.constant 0 : i32
    %dma_wait3A_950 = tpu.memref_slice %arg6[%dma_wait3A_939, %dma_wait3A_948, %dma_wait3A_949] : memref<7x128x128xf32, #tpu.memory_space<vmem>> -> memref<1x128x128xf32, #tpu.memory_space<vmem>>
    %dma_wait3A_951 = tpu.memref_squeeze %dma_wait3A_950 : memref<1x128x128xf32, #tpu.memory_space<vmem>> -> memref<128x128xf32, #tpu.memory_space<vmem>>
    tpu.wait_dma2 semaphore(%arg18 : memref<!tpu.dma_semaphore, #tpu.memory_space<semaphore_mem>>) src(%dma_wait3A_951 : memref<128x128xf32, #tpu.memory_space<vmem>>) dst(%dma_wait3A_947 : memref<128x128xf32, #tpu.memory_space<hbm>>)
    %dma_wait3A_952 = arith.constant 5 : i32
    %dma_wait3A_953 = arith.constant 0 : i32
    %dma_wait3A_954 = arith.constant 0 : i32
    %dma_wait3A_955 = tpu.memref_slice %arg6[%dma_wait3A_952, %dma_wait3A_953, %dma_wait3A_954] : memref<7x128x128xf32, #tpu.memory_space<vmem>> -> memref<1x128x128xf32, #tpu.memory_space<vmem>>
    %dma_wait3A_956 = tpu.memref_squeeze %dma_wait3A_955 : memref<1x128x128xf32, #tpu.memory_space<vmem>> -> memref<128x128xf32, #tpu.memory_space<vmem>>
    %dma_wait3A_957 = arith.constant 0 : i32
    %dma_wait3A_958 = tpu.memref_slice %arg4[%add3A_836, %dma_wait3A_957] : memref<32768x128xf32, #tpu.memory_space<hbm>> -> memref<128x128xf32, #tpu.memory_space<hbm>>
    %dma_wait3A_959 = arith.constant 0 : i32
    %dma_wait3A_960 = tpu.memref_slice %arg4[%add3A_836, %dma_wait3A_959] : memref<32768x128xf32, #tpu.memory_space<hbm>> -> memref<128x128xf32, #tpu.memory_space<hbm>>
    %dma_wait3A_961 = arith.constant 0 : i32
    %dma_wait3A_962 = arith.constant 0 : i32
    %dma_wait3A_963 = tpu.memref_slice %arg6[%dma_wait3A_952, %dma_wait3A_961, %dma_wait3A_962] : memref<7x128x128xf32, #tpu.memory_space<vmem>> -> memref<1x128x128xf32, #tpu.memory_space<vmem>>
    %dma_wait3A_964 = tpu.memref_squeeze %dma_wait3A_963 : memref<1x128x128xf32, #tpu.memory_space<vmem>> -> memref<128x128xf32, #tpu.memory_space<vmem>>
    tpu.wait_dma2 semaphore(%arg19 : memref<!tpu.dma_semaphore, #tpu.memory_space<semaphore_mem>>) src(%dma_wait3A_964 : memref<128x128xf32, #tpu.memory_space<vmem>>) dst(%dma_wait3A_960 : memref<128x128xf32, #tpu.memory_space<hbm>>)
    %dma_wait3A_965 = arith.constant 6 : i32
    %dma_wait3A_966 = arith.constant 0 : i32
    %dma_wait3A_967 = arith.constant 0 : i32
    %dma_wait3A_968 = tpu.memref_slice %arg6[%dma_wait3A_965, %dma_wait3A_966, %dma_wait3A_967] : memref<7x128x128xf32, #tpu.memory_space<vmem>> -> memref<1x128x128xf32, #tpu.memory_space<vmem>>
    %dma_wait3A_969 = tpu.memref_squeeze %dma_wait3A_968 : memref<1x128x128xf32, #tpu.memory_space<vmem>> -> memref<128x128xf32, #tpu.memory_space<vmem>>
    %dma_wait3A_970 = arith.constant 0 : i32
    %dma_wait3A_971 = tpu.memref_slice %arg4[%add3A_861, %dma_wait3A_970] : memref<32768x128xf32, #tpu.memory_space<hbm>> -> memref<128x128xf32, #tpu.memory_space<hbm>>
    %dma_wait3A_972 = arith.constant 0 : i32
    %dma_wait3A_973 = tpu.memref_slice %arg4[%add3A_861, %dma_wait3A_972] : memref<32768x128xf32, #tpu.memory_space<hbm>> -> memref<128x128xf32, #tpu.memory_space<hbm>>
    %dma_wait3A_974 = arith.constant 0 : i32
    %dma_wait3A_975 = arith.constant 0 : i32
    %dma_wait3A_976 = tpu.memref_slice %arg6[%dma_wait3A_965, %dma_wait3A_974, %dma_wait3A_975] : memref<7x128x128xf32, #tpu.memory_space<vmem>> -> memref<1x128x128xf32, #tpu.memory_space<vmem>>
    %dma_wait3A_977 = tpu.memref_squeeze %dma_wait3A_976 : memref<1x128x128xf32, #tpu.memory_space<vmem>> -> memref<128x128xf32, #tpu.memory_space<vmem>>
    tpu.wait_dma2 semaphore(%arg20 : memref<!tpu.dma_semaphore, #tpu.memory_space<semaphore_mem>>) src(%dma_wait3A_977 : memref<128x128xf32, #tpu.memory_space<vmem>>) dst(%dma_wait3A_973 : memref<128x128xf32, #tpu.memory_space<hbm>>)
    %dma_wait3A_978 = arith.constant 0 : i32
    %dma_wait3A_979 = arith.constant 0 : i32
    %dma_wait3A_980 = arith.constant 0 : i32
    %dma_wait3A_981 = tpu.memref_slice %arg6[%dma_wait3A_978, %dma_wait3A_979, %dma_wait3A_980] : memref<7x128x128xf32, #tpu.memory_space<vmem>> -> memref<1x128x128xf32, #tpu.memory_space<vmem>>
    %dma_wait3A_982 = tpu.memref_squeeze %dma_wait3A_981 : memref<1x128x128xf32, #tpu.memory_space<vmem>> -> memref<128x128xf32, #tpu.memory_space<vmem>>
    %dma_wait3A_983 = arith.constant 0 : i32
    %dma_wait3A_984 = tpu.memref_slice %arg4[%add3A_886, %dma_wait3A_983] : memref<32768x128xf32, #tpu.memory_space<hbm>> -> memref<128x128xf32, #tpu.memory_space<hbm>>
    %dma_wait3A_985 = arith.constant 0 : i32
    %dma_wait3A_986 = tpu.memref_slice %arg4[%add3A_886, %dma_wait3A_985] : memref<32768x128xf32, #tpu.memory_space<hbm>> -> memref<128x128xf32, #tpu.memory_space<hbm>>
    %dma_wait3A_987 = arith.constant 0 : i32
    %dma_wait3A_988 = arith.constant 0 : i32
    %dma_wait3A_989 = tpu.memref_slice %arg6[%dma_wait3A_978, %dma_wait3A_987, %dma_wait3A_988] : memref<7x128x128xf32, #tpu.memory_space<vmem>> -> memref<1x128x128xf32, #tpu.memory_space<vmem>>
    %dma_wait3A_990 = tpu.memref_squeeze %dma_wait3A_989 : memref<1x128x128xf32, #tpu.memory_space<vmem>> -> memref<128x128xf32, #tpu.memory_space<vmem>>
    tpu.wait_dma2 semaphore(%arg14 : memref<!tpu.dma_semaphore, #tpu.memory_space<semaphore_mem>>) src(%dma_wait3A_990 : memref<128x128xf32, #tpu.memory_space<vmem>>) dst(%dma_wait3A_986 : memref<128x128xf32, #tpu.memory_space<hbm>>)
    return
  }
}

</mosaic_0001>

<sc_bundles>
// kernel: kernel.3.cloned.1.call-start
scs
__scs_entry_jumppad:
0x0: {  	(pc) =	sbr.rel $0x88, $3  }
0x1: {  	(tag) =	ssettag $0x0;
	lr =	simm.s32 $0x1  }
0x2: {  	[smem:$0x3F9F] =	sst lr;
	_ =	strace $0xD0000000  }
0x3: {  	_ = 	snop  }
0x4: {  	_ = 	snop  }
0x5: {  	_ = 	snop  }
0x6: {  	_ = 	snop  }
0x7: {  	_ = 	snop  }
__scs_overlays_trampoline_lowered:
0x8: {  	[smem:$0x3FAE] =	sst s0  }
0x9: {  	[smem:$0x3FAF] =	sst s1  }
0xa: {  	[smem:$0x3FB0] =	sst s2  }
0xb: {  	[smem:$0x3FB1] =	sst s3  }
0xc: {  	[smem:$0x3FB2] =	sst s4  }
0xd: {  	[smem:$0x3FB3] =	sst s5  }
0xe: {  	[smem:$0x3FB4] =	sst s6  }
0xf: {  	[smem:$0x3FB5] =	sst s7  }
0x10: {  	[smem:$0x3FB6] =	sst s8  }
0x11: {  	[smem:$0x3FB7] =	sst s9;
	s0 =	simm.s32 @!p0 $0x0  }
0x12: {  	s1 =	sld [smem:$0x3F9D];
	s0 =	simm.s32 @p0 $0x1  }
0x13: {  	[smem:$0x3FB8] =	sst s0;
	s0 =	simm.s32 @!p1 $0x0  }
0x14: {  	s2 =	sld [smem:$0x3F9C];
	s0 =	simm.s32 @p1 $0x1  }
0x15: {  	[smem:$0x3FB9] =	sst s0;
	s0 =	simm.s32 @!p2 $0x0  }
0x16: {  	s3 =	sld [smem:$0x3FDB];
	s0 =	simm.s32 @p2 $0x1  }
0x17: {  	s4 =	simm.s32 $0x1BF5;
	[smem:$0x3FBB] =	sst s0  }
0x18: {  	s0 =	sld [smem:$0x3F9E];
	_ =	swait.ge [sflag:s4], $0x0  }
0x19: {  	s7 =	sld [smem:$0x3F9F]  }
0x1a: {  	s8 =	sadd.s32 $0xFFFFE003, lr  }
0x1b: {  	s9 =	sadd.s32 $0xFFFFFEF7, lr;
	s5 =	simm.s32 $0xFFFFFFFF;
	p2 =	slt.u32 s8, $0xFFFFF086  }
0x1c: {  	p1 =	slt.u32 s9, $0xF7A;
	s5 =	simm.s32 @!p2 $0x0  }
0x1d: {  	s5 =	simm.s32 @p1 $0x1;
	p0 =	seq.s32 s7, s2  }
0x1e: {  	s7 =	smul.u32 @!p0 $0xF7A, s2;
	p2 =	seq.s32 @!p0 s5, $0x0  }
0x1f: {  	s9 =	smul.u32 $0xF7A, s1;
	s8 =	simm.s32 @!p0 $0x1BF5;
	p2 =	por !p2, p0  }
0x20: {  	[sflag:s8] =	ssyncset.s32 @!p0 $0xFFFFF086;
	s6 =	sadd.s32 @!p0 s3, s7;
	s7 =	simm.s32 @!p0 $0x108  }
0x21: {  	s3 =	sadd.s32 s3, s9;
	s6 =	sadd.s32 @!p0 $0x88, s6;
	s7 =	simm.s32 @p2 $0x1082  }
0x22: {  	[simem:s7], [sflag:s8] =	dma.local @!p0 [hbm:s6], $0xF7A  }
0x23: {  	s9 =	sor.u32 $0xD0000000, s2;
	s6 =	simm.s32 $0x108;
	_ =	swait.ge @!p0 [sflag:s8], $0x0  }
0x24: {  	s3 =	sadd.s32 $0x88, s3;
	s6 =	simm.s32 @!p1 $0x1082;
	[sflag:s4] =	ssyncset.s32 $0xFFFFF086  }
0x25: {  	[simem:s6], [sflag:s4] =	dma.local [hbm:s3], $0xF7A  }
0x26: {  	[smem:$0x3F9F] =	sst s1;
	(tag) =	ssettag s2;
	_ =	strace s9  }
0x27: {  	s1 =	sld [smem:$0x3FAF]  }
0x28: {  	s2 =	sld [smem:$0x3FB0]  }
0x29: {  	s4 =	sld [smem:$0x3FB2]  }
0x2a: {  	p0 =	seq.s32 s5, $0x0;
	s5 =	sld [smem:$0x3FB3]  }
0x2b: {  	s6 =	sld [smem:$0x3FB4]  }
0x2c: {  	s7 =	sld [smem:$0x3FB5]  }
0x2d: {  	s3 =	simm.s32 $0x108;
	s8 =	sld [smem:$0x3FB6]  }
0x2e: {  	s3 =	simm.s32 @!p0 $0x1082;
	s9 =	sld [smem:$0x3FB7]  }
0x2f: {  	lr =	sadd.s32 s0, s3;
	s0 =	sld [smem:$0x3FAE]  }
0x30: {  	s3 =	sld [smem:$0x3FB1]  }
0x31: {  	[smem:$0x3FBA] =	sst s10  }
0x32: {  	s10 =	sld [smem:$0x3FB8];
	_ =	sdelay $0x3  }
0x33: {  	p0 =	seq.s32 s10, $0x1;
	s10 =	sld [smem:$0x3FBA];
	_ =	sdelay $0x3  }
0x34: {  	[smem:$0x3FBA] =	sst s10  }
0x35: {  	s10 =	sld [smem:$0x3FB9];
	_ =	sdelay $0x3  }
0x36: {  	p1 =	seq.s32 s10, $0x1;
	s10 =	sld [smem:$0x3FBA];
	_ =	sdelay $0x3  }
0x37: {  	[smem:$0x3FBA] =	sst s10  }
0x38: {  	s10 =	sld [smem:$0x3FBB]  }
0x39: {  	_ = 	snop;
	(pc) =	sbr.ind lr, $3  }
0x3a: {  	_ = 	snop  }
0x3b: {  	_ = 	snop  }
0x3c: {  	p2 =	seq.s32 s10, $0x1;
	s10 =	sld [smem:$0x3FBA]  }
0x3d: {  	_ =	shalt  }
0x3e: {  	_ =	shalt  }
0x3f: {  	_ =	shalt  }
0x40: {  	_ =	shalt  }
0x41: {  	_ =	shalt  }
0x42: {  	_ =	shalt  }
0x43: {  	_ =	shalt  }
0x44: {  	_ =	shalt  }
0x45: {  	_ =	shalt  }
0x46: {  	_ =	shalt  }
0x47: {  	_ =	shalt  }
0x48: {  	_ =	shalt  }
0x49: {  	_ =	shalt  }
0x4a: {  	_ =	shalt  }
0x4b: {  	_ =	shalt  }
0x4c: {  	_ =	shalt  }
0x4d: {  	_ =	shalt  }
0x4e: {  	_ =	shalt  }
0x4f: {  	_ =	shalt  }
0x50: {  	_ =	shalt  }
0x51: {  	_ =	shalt  }
0x52: {  	_ =	shalt  }
0x53: {  	_ =	shalt  }
0x54: {  	_ =	shalt  }
0x55: {  	_ =	shalt  }
0x56: {  	_ =	shalt  }
0x57: {  	_ =	shalt  }
0x58: {  	_ =	shalt  }
0x59: {  	_ =	shalt  }
0x5a: {  	_ =	shalt  }
0x5b: {  	_ =	shalt  }
0x5c: {  	_ =	shalt  }
0x5d: {  	_ =	shalt  }
0x5e: {  	_ =	shalt  }
0x5f: {  	_ =	shalt  }
0x60: {  	_ =	shalt  }
0x61: {  	_ =	shalt  }
0x62: {  	_ =	shalt  }
0x63: {  	_ =	shalt  }
0x64: {  	_ =	shalt  }
0x65: {  	_ =	shalt  }
0x66: {  	_ =	shalt  }
0x67: {  	_ =	shalt  }
0x68: {  	_ =	shalt  }
0x69: {  	_ =	shalt  }
0x6a: {  	_ =	shalt  }
0x6b: {  	_ =	shalt  }
0x6c: {  	_ =	shalt  }
0x6d: {  	_ =	shalt  }
0x6e: {  	_ =	shalt  }
0x6f: {  	_ =	shalt  }
0x70: {  	_ =	shalt  }
0x71: {  	_ =	shalt  }
0x72: {  	_ =	shalt  }
0x73: {  	_ =	shalt  }
0x74: {  	_ =	shalt  }
0x75: {  	_ =	shalt  }
0x76: {  	_ =	shalt  }
0x77: {  	_ =	shalt  }
0x78: {  	_ =	shalt  }
0x79: {  	_ =	shalt  }
0x7a: {  	_ =	shalt  }
0x7b: {  	_ =	shalt  }
0x7c: {  	_ =	shalt  }
0x7d: {  	_ =	shalt  }
0x7e: {  	_ =	shalt  }
0x7f: {  	_ =	shalt  }
0x80: {  	_ =	shalt  }
0x81: {  	_ =	shalt  }
0x82: {  	_ =	shalt  }
0x83: {  	_ =	shalt  }
0x84: {  	_ =	shalt  }
0x85: {  	_ =	shalt  }
0x86: {  	_ =	shalt  }
0x87: {  	_ =	shalt  }
.Lfunc_end0:
.L_simem_size_0:
called_computation_lowered:
.L_overlay_start_0:
0x88: {  	s2 =	sld [smem:$0x3FD9]  }
0x89: {  	s3 =	sld [smem:$0x3FFE];
	_ =	sdelay $0x1  }
0x8a: {  	s1 =	srdreg.scid  }
0x8b: {  	s0 =	sand.u32 $0x1, s1  }
0x8c: {  	s18 =	sshll.u32 s0, $0xA;
	s2 =	sadd.s32 s3, s2  }
0x8d: {  	s2 =	sadd.s32 s2, s18  }
0x8e: {  	[smem:$0x3FC6] =	sst s2  }
0x8f: {  	_ = 	snop  }
0x90: {  	s2 =	sld [smem:$0x3FC9]  }
0x91: {  	s19 =	sld [smem:$0x3FC8]  }
0x92: {  	s4 =	sld [smem:$0x3FD0];
	(tm) =	ssettm $0x1  }
0x93: {  	s5 =	sld [smem:$0x3FFB];
	_ =	sdelay $0x3  }
0x94: {  	_ =	strace s5  }
0x95: {  	s5 =	sld [smem:$0x3FFC];
	_ =	sdelay $0x3  }
0x96: {  	_ =	strace s5  }
0x97: {  	s5 =	sld [smem:$0x3FFD];
	_ =	sdelay $0x3  }
0x98: {  	_ =	strace s5  }
0x99: {  	_ =	strace $0x8FFFFFFF  }
0x9a: {  	s20 =	sld [smem:$0x3FDB];
	_ =	sdelay $0x1  }
0x9b: {  	s6 =	simm.s32 $_scs_section_size  }
0x9c: {  	s7 =	simm.s32 $_size__tile_overlayer_lowered;
	s8 =	simm.s32 $_tile_overlayer_lowered  }
0x9d: {  	s23 =	simm.s32 $0x1BFF;
	s22 =	sshll.u32 s8, $0x1;
	s5 =	sadd.s32 s6, s20  }
0x9e: {  	s9 =	simm.s32 $0x0;
	s21 =	sshll.u32 s7, $0x1;
	s7 =	sadd.s32 s22, s5  }
0x9f: {  	[timem:s9], [sflag:s23] =	dma.local [hbm:s7], s21  }
0xa0: {  	_ =	swait.ge [sflag:s23], s21  }
0xa1: {  	s6 =	ssub.s32 $0x0, s21;
	[sflag:s23] =	ssyncset.done $0x0  }
0xa2: {  	[sflag:s23] =	ssyncadd.s32 s6;
	_ =	sdelay $0x1  }
0xa3: {  	s24 =	simm.s32 $0x1B8B  }
0xa4: {  	_ =	swait.ge [sflag:s24], $0x1  }
0xa5: {  	[sflag:s24] =	ssyncset.done $0x0  }
0xa6: {  	s25 =	simm.s32 $0x1B8E;
	[sflag:s24] =	ssyncadd.s32 $0xFFFFFFFF  }
0xa7: {  	s26 =	simm.s32 $execute0_lowered;
	[smem:$0x3FD2] =	sst s25  }
0xa8: {  	s6 =	sshll.u32 s26, $0x1;
	_ =	strace $0x80000046;
	[dreg:$0x1] =	wrdreg $0xFFFFFFFF  }
0xa9: {  	s28 =	simm.s32 $_size_execute0_lowered;
	s5 =	sadd.s32 s5, s6;
	[dreg:$0x0] =	wrdreg $0x0  }
0xaa: {  	s6 =	sshll.u32 s28, $0x1;
	[dreg:$0x2] =	wrdreg s5  }
0xab: {  	[dreg:$0x3] =	wrdreg s6  }
0xac: {  	[dreg:$0x4] =	wrdreg $0xC0  }
0xad: {  	_ =	task [dreg:s9], $0x5FFFF  }
0xae: {  	[dreg:$0x1] =	wrdreg $0xFFFFFFFF  }
0xaf: {  	[dreg:$0x0] =	wrdreg $0x60  }
0xb0: {  	[dreg:$0x2] =	wrdreg s2  }
0xb1: {  	[dreg:$0x3] =	wrdreg s19  }
0xb2: {  	[dreg:$0x4] =	wrdreg s4  }
0xb3: {  	[dreg:$0x5] =	wrdreg $0x9  }
0xb4: {  	_ =	task.clear_ibuf [dreg:s9], $0x6FFFF;
	_ =	strace $0x90000046  }
0xb5: {  	s29 =	simm.s32 $0x9;
	_ =	strace $0x80000048  }
0xb6: {  	_ =	swait.ge [sflag:s29], $0x1  }
0xb7: {  	[sflag:s29] =	ssyncadd.s32 $0xFFFFFFFF  }
0xb8: {  	_ =	strace $0x90000048  }
0xb9: {  	_ =	sfence  }
0xba: {  	s30 =	sld [smem:$0x0];
	_ =	sdelay $0x2  }
0xbb: {  	s31 =	sshll.u32 s1, $0xD;
	s1 =	sshrl.u32 s1, $0x2  }
0xbc: {  	s3 =	sand.u32 $0x4000, s31;
	s1 =	sadd.s32 s1, s30  }
0xbd: {  	s0 =	sor.u32 s3, s0;
	s1 =	sshll.u32 s1, $0x11  }
0xbe: {  	s0 =	sor.u32 s1, s0  }
0xbf: {  	s0 =	sadd.s32 $0x8F2B, s0  }
0xc0: {  	[sflag:s0] =	ssyncadd.remote.s32 $0x1  }
0xc1: {  	_ =	sfence.sel $0xFFFF  }
0xc2: {  	[dreg:$0x0] =	wrdreg $0xFFFFFFFF;
	(pc) =	sbr.abs _section_cstart, $3  }
0xc3: {  	[dreg:$0x1] =	wrdreg $0xFFFFFFFF  }
0xc4: {  	_ =	task.clear_ibuf [dreg:s9], $0x2FFFF;
	_ =	strace $0x9FFFFFFF  }
0xc5: {  	(tm) =	ssettm $0x7FFFFFFF  }
tec
execute0_lowered:
.L_overlay_start_1:
0x0: {  	(tag) =	ssettag $0x1  }
0x1: {  	s1 =	srdreg.scid  }
0x2: {  	s0 =	stileid.u32;
	s5 =	rddreg [dreg:$0x1]  }
0x3: {  	s9 =	rddreg [dreg:$0x2];
	s24 =	simm.s32 $0x100;
	s2 =	sand.u32 $0x1, s1  }
0x4: {  	s10 =	simm.s32 $0x4400;
	s15 =	sshll.u32 s0, $0xB;
	s3 =	sshll.u32 s2, $0xA  }
0x5: {  	s25 =	simm.s32 $0x180;
	s11 =	simm.s32 $0x8400;
	s4 =	sor.u32 s3, s15  }
0x6: {  	s26 =	simm.s32 $0x200;
	p1 =	seq.s32 s2, $0x1;
	p0 =	seq.s32 s4, $0x0  }
0x7: {  	s12 =	simm.s32 $0xC400;
	s13 =	simm.s32 $0x10400;
	p0 =	por !p0, !p1  }
0x8: {  	s28 =	simm.s32 $0xA;
	s3 =	simm.s32 $0x1;
	p0 =	por !p0, !p0  }
0x9: {  	s29 =	simm.s32 $0xB;
	s31 =	simm.s32 $0xD;
	s3 =	simm.s32 @!p0 $0x0  }
0xa: {  	s7 =	sshll.u32 s2, $0xD;
	s2 =	ssub.s32 $0x2, s2;
	s6 =	ssub.s32 s0, s3  }
0xb: {  	s1 =	rddreg [dreg:$0x0];
	s19 =	sshrl.u32 s2, $0x1;
	s3 =	sshll.u32 s6, $0xB  }
0xc: {  	s15 =	simm.s32 $0x14400;
	s4 =	sshll.u32 s4, $0x4;
	s3 =	sand.u32 $0xFFFFC000, s3  }
0xd: {  	s4 =	sadd.s32 s9, s4;
	s7 =	sor.u32 s7, s3;
	s3 =	simm.s32 $0x0  }
0xe: {  	s2 =	ssub.s32 s2, s19;
	s16 =	sadd.s32 $0x800, s4;
	[smem:$0x7FF] =	sst s3  }
0xf: {  	s17 =	sadd.s32 $0x1000, s4;
	_ =	strace $0x80000047;
	[dreg:$0x5] =	wrdreg s16  }
0x10: {  	s19 =	simm.s32 $0x380;
	s18 =	sadd.s32 $0x1800, s4;
	[dreg:$0x6] =	wrdreg s17  }
0x11: {  	s9 =	simm.s32 $0xF;
	s20 =	sadd.s32 $0x2000, s4;
	[dreg:$0x7] =	wrdreg s18  }
0x12: {  	s21 =	sadd.s32 $0x2800, s4;
	s22 =	sadd.s32 $0x3000, s4;
	[dreg:$0x8] =	wrdreg s20  }
0x13: {  	s23 =	sadd.s32 $0x3800, s4;
	s8 =	sshll.u32 s6, $0x7;
	[dreg:$0x9] =	wrdreg s21  }
0x14: {  	s30 =	smul.u32 $0xC350, s6;
	s6 =	smax.u32 s2, $0x1;
	[dreg:$0xa] =	wrdreg s22  }
0x15: {  	s2 =	simm.s32 $0xE;
	s8 =	sand.u32 $0x380, s8;
	[dreg:$0xb] =	wrdreg s23  }
0x16: {  	v0 =	vmov s30;
	s30 =	simm.s32 $0xC;
	s7 =	sor.u32 s8, s7;
	[dreg:$0xc] =	wrdreg s24  }
0x17: {  	s8 =	simm.s32 $0x400;
	s7 =	sshrl.u32 s7, $0x3;
	[dreg:$0xd] =	wrdreg s25  }
0x18: {  	[dreg:$0xe] =	wrdreg s26;
	s16 =	simm.s32 $0x300;
	s17 =	simm.s32 $0x18400  }
0x19: {  	s18 =	simm.s32 $0x8;
	s20 =	simm.s32 $0x2;
	s21 =	simm.s32 $0x3  }
0x1a: {  	s22 =	simm.s32 $0x4;
	s23 =	simm.s32 $0x5;
	s24 =	simm.s32 $0x6  }
0x1b: {  	s25 =	simm.s32 $0x7;
	s26 =	simm.s32 $0x9;
	s5 =	sadd.s32 s5, s7  }
0x1c: {  	s7 =	simm.s32 $0x80;
	[dreg:$0x4] =	wrdreg s5;
	s5 =	simm.s32 $0x1  }
.LBB2_1:
0x1d: {  	s0 =	rddreg [dreg:$0x4]  }
0x1e: {  	[tilespmem:s3], [sflag:$0xF] =	stream.strided.gather [hbm4b:s0+s7], $0x400, s8, s7, $0x38;
	[tilespmem:$0x1C400] =	vst v63  }
0x1f: {  	_ =	swait.ge [sflag:s9], $0x400  }
0x20: {  	[sflag:s9] =	ssyncset.done $0x0  }
0x21: {  	[sflag:s9] =	ssyncadd.s32 $0xFFFFFC00  }
0x22: {  	v1 =	vld [tilespmem:$0x0]  }
0x23: {  	v2 =	vld [tilespmem:$0x10]  }
0x24: {  	v3 =	vld [tilespmem:$0x20]  }
0x25: {  	v4 =	vld [tilespmem:$0x30]  }
0x26: {  	v5 =	vld [tilespmem:$0x40]  }
0x27: {  	v6 =	vld [tilespmem:$0x50];
	v1 =	vadd.s32 v0, v1  }
0x28: {  	[tilespmem:$0x0] =	vst v1;
	v1 =	vadd.s32 v0, v2;
	v2 =	vld [tilespmem:$0x60]  }
0x29: {  	[tilespmem:$0x10] =	vst v1;
	v1 =	vadd.s32 v0, v3;
	v3 =	vld [tilespmem:$0x70]  }
0x2a: {  	v30 =	vld [tilespmem:$0x80];
	[tilespmem:$0x20] =	vst v1;
	v1 =	vadd.s32 v0, v4  }
0x2b: {  	v31 =	vld [tilespmem:$0x90];
	[tilespmem:$0x30] =	vst v1;
	v1 =	vadd.s32 v0, v5  }
0x2c: {  	v32 =	vld [tilespmem:$0xA0];
	[tilespmem:$0x40] =	vst v1;
	v1 =	vadd.s32 v0, v6  }
0x2d: {  	[tilespmem:$0x50] =	vst v1;
	v1 =	vadd.s32 v0, v2;
	v2 =	vld [tilespmem:$0xB0]  }
0x2e: {  	[tilespmem:$0x60] =	vst v1;
	v1 =	vadd.s32 v0, v3;
	v3 =	vld [tilespmem:$0xC0]  }
0x2f: {  	v33 =	vld [tilespmem:$0xD0];
	[tilespmem:$0x70] =	vst v1;
	v1 =	vadd.s32 v0, v30  }
0x30: {  	v34 =	vld [tilespmem:$0xE0];
	[tilespmem:$0x80] =	vst v1;
	v1 =	vadd.s32 v0, v31  }
0x31: {  	v35 =	vld [tilespmem:$0xF0];
	[tilespmem:$0x90] =	vst v1;
	v1 =	vadd.s32 v0, v32  }
0x32: {  	[tilespmem:$0xA0] =	vst v1;
	v1 =	vadd.s32 v0, v2;
	v2 =	vld [tilespmem:$0x100]  }
0x33: {  	[tilespmem:$0xB0] =	vst v1;
	v1 =	vadd.s32 v0, v3;
	v3 =	vld [tilespmem:$0x110]  }
0x34: {  	v36 =	vld [tilespmem:$0x120];
	[tilespmem:$0xC0] =	vst v1;
	v1 =	vadd.s32 v0, v33  }
0x35: {  	v37 =	vld [tilespmem:$0x130];
	[tilespmem:$0xD0] =	vst v1;
	v1 =	vadd.s32 v0, v34  }
0x36: {  	v38 =	vld [tilespmem:$0x140];
	[tilespmem:$0xE0] =	vst v1;
	v1 =	vadd.s32 v0, v35  }
0x37: {  	[tilespmem:$0xF0] =	vst v1;
	v1 =	vadd.s32 v0, v2;
	v2 =	vld [tilespmem:$0x150]  }
0x38: {  	[tilespmem:$0x100] =	vst v1;
	v1 =	vadd.s32 v0, v3;
	v3 =	vld [tilespmem:$0x160]  }
0x39: {  	v39 =	vld [tilespmem:$0x170];
	[tilespmem:$0x110] =	vst v1;
	v1 =	vadd.s32 v0, v36  }
0x3a: {  	v40 =	vld [tilespmem:$0x180];
	[tilespmem:$0x120] =	vst v1;
	v1 =	vadd.s32 v0, v37  }
0x3b: {  	v41 =	vld [tilespmem:$0x190];
	[tilespmem:$0x130] =	vst v1;
	v1 =	vadd.s32 v0, v38  }
0x3c: {  	[tilespmem:$0x140] =	vst v1;
	v1 =	vadd.s32 v0, v2;
	v2 =	vld [tilespmem:$0x1A0]  }
0x3d: {  	[tilespmem:$0x150] =	vst v1;
	v1 =	vadd.s32 v0, v3;
	v3 =	vld [tilespmem:$0x1B0]  }
0x3e: {  	v42 =	vld [tilespmem:$0x1C0];
	[tilespmem:$0x160] =	vst v1;
	v1 =	vadd.s32 v0, v39  }
0x3f: {  	v43 =	vld [tilespmem:$0x1D0];
	[tilespmem:$0x170] =	vst v1;
	v1 =	vadd.s32 v0, v40  }
0x40: {  	v44 =	vld [tilespmem:$0x1E0];
	[tilespmem:$0x180] =	vst v1;
	v1 =	vadd.s32 v0, v41  }
0x41: {  	[tilespmem:$0x190] =	vst v1;
	v1 =	vadd.s32 v0, v2;
	v2 =	vld [tilespmem:$0x1F0]  }
0x42: {  	[tilespmem:$0x1A0] =	vst v1;
	v1 =	vadd.s32 v0, v3;
	v3 =	vld [tilespmem:$0x200]  }
0x43: {  	v45 =	vld [tilespmem:$0x210];
	[tilespmem:$0x1B0] =	vst v1;
	v1 =	vadd.s32 v0, v42  }
0x44: {  	v46 =	vld [tilespmem:$0x220];
	[tilespmem:$0x1C0] =	vst v1;
	v1 =	vadd.s32 v0, v43  }
0x45: {  	v47 =	vld [tilespmem:$0x230];
	[tilespmem:$0x1D0] =	vst v1;
	v1 =	vadd.s32 v0, v44  }
0x46: {  	[tilespmem:$0x1E0] =	vst v1;
	v1 =	vadd.s32 v0, v2;
	v2 =	vld [tilespmem:$0x240]  }
0x47: {  	[tilespmem:$0x1F0] =	vst v1;
	v1 =	vadd.s32 v0, v3;
	v3 =	vld [tilespmem:$0x250]  }
0x48: {  	v48 =	vld [tilespmem:$0x260];
	[tilespmem:$0x200] =	vst v1;
	v1 =	vadd.s32 v0, v45  }
0x49: {  	v49 =	vld [tilespmem:$0x270];
	[tilespmem:$0x210] =	vst v1;
	v1 =	vadd.s32 v0, v46  }
0x4a: {  	v50 =	vld [tilespmem:$0x280];
	[tilespmem:$0x220] =	vst v1;
	v1 =	vadd.s32 v0, v47  }
0x4b: {  	[tilespmem:$0x230] =	vst v1;
	v1 =	vadd.s32 v0, v2;
	v2 =	vld [tilespmem:$0x290]  }
0x4c: {  	[tilespmem:$0x240] =	vst v1;
	v1 =	vadd.s32 v0, v3;
	v3 =	vld [tilespmem:$0x2A0]  }
0x4d: {  	v51 =	vld [tilespmem:$0x2B0];
	[tilespmem:$0x250] =	vst v1;
	v1 =	vadd.s32 v0, v48  }
0x4e: {  	v52 =	vld [tilespmem:$0x2C0];
	[tilespmem:$0x260] =	vst v1;
	v1 =	vadd.s32 v0, v49  }
0x4f: {  	v53 =	vld [tilespmem:$0x2D0];
	[tilespmem:$0x270] =	vst v1;
	v1 =	vadd.s32 v0, v50  }
0x50: {  	[tilespmem:$0x280] =	vst v1;
	v1 =	vadd.s32 v0, v2;
	v2 =	vld [tilespmem:$0x2E0]  }
0x51: {  	[tilespmem:$0x290] =	vst v1;
	v1 =	vadd.s32 v0, v3;
	v3 =	vld [tilespmem:$0x2F0]  }
0x52: {  	v54 =	vld [tilespmem:$0x300];
	[tilespmem:$0x2A0] =	vst v1;
	v1 =	vadd.s32 v0, v51  }
0x53: {  	v55 =	vld [tilespmem:$0x310];
	[tilespmem:$0x2B0] =	vst v1;
	v1 =	vadd.s32 v0, v52  }
0x54: {  	v56 =	vld [tilespmem:$0x320];
	[tilespmem:$0x2C0] =	vst v1;
	v1 =	vadd.s32 v0, v53  }
0x55: {  	[tilespmem:$0x2D0] =	vst v1;
	v1 =	vadd.s32 v0, v2;
	v2 =	vld [tilespmem:$0x330]  }
0x56: {  	[tilespmem:$0x2E0] =	vst v1;
	v1 =	vadd.s32 v0, v3;
	v3 =	vld [tilespmem:$0x340]  }
0x57: {  	v57 =	vld [tilespmem:$0x350];
	[tilespmem:$0x2F0] =	vst v1;
	v1 =	vadd.s32 v0, v54  }
0x58: {  	v58 =	vld [tilespmem:$0x360];
	[tilespmem:$0x300] =	vst v1;
	v1 =	vadd.s32 v0, v55  }
0x59: {  	v59 =	vld [tilespmem:$0x370];
	[tilespmem:$0x310] =	vst v1;
	v1 =	vadd.s32 v0, v56  }
0x5a: {  	[tilespmem:$0x320] =	vst v1;
	v1 =	vadd.s32 v0, v2;
	v2 =	vld [tilespmem:$0x380]  }
0x5b: {  	[tilespmem:$0x330] =	vst v1;
	v1 =	vadd.s32 v0, v3;
	v3 =	vld [tilespmem:$0x390]  }
0x5c: {  	v60 =	vld [tilespmem:$0x3A0];
	[tilespmem:$0x340] =	vst v1;
	v1 =	vadd.s32 v0, v57  }
0x5d: {  	v61 =	vld [tilespmem:$0x3B0];
	[tilespmem:$0x350] =	vst v1;
	v1 =	vadd.s32 v0, v58  }
0x5e: {  	v62 =	vld [tilespmem:$0x3C0];
	[tilespmem:$0x360] =	vst v1;
	v1 =	vadd.s32 v0, v59  }
0x5f: {  	[tilespmem:$0x370] =	vst v1;
	v1 =	vadd.s32 v0, v2;
	v2 =	vld [tilespmem:$0x3D0]  }
0x60: {  	[tilespmem:$0x380] =	vst v1;
	v1 =	vadd.s32 v0, v3;
	v3 =	vld [tilespmem:$0x3E0]  }
0x61: {  	v63 =	vld [tilespmem:$0x3F0];
	[tilespmem:$0x390] =	vst v1;
	v1 =	vadd.s32 v0, v60  }
0x62: {  	[tilespmem:$0x3A0] =	vst v1;
	v1 =	vadd.s32 v0, v61  }
0x63: {  	[tilespmem:$0x3B0] =	vst v1;
	v1 =	vadd.s32 v0, v62  }
0x64: {  	[tilespmem:$0x3C0] =	vst v1;
	v1 =	vadd.s32 v0, v2  }
0x65: {  	[tilespmem:$0x3D0] =	vst v1;
	v1 =	vadd.s32 v0, v3  }
0x66: {  	[tilespmem:$0x3E0] =	vst v1;
	v1 =	vadd.s32 v0, v63  }
0x67: {  	[tilespmem:$0x3F0] =	vst v1  }
0x68: {  	[tilespmem:s8], [sflag:$0x1] =	stream.indirect.gather [hbm4b:s1+s7], $0x80, s3, s7, $0xb8;
	[tilespmem:$0x1C400] =	vst v63  }
0x69: {  	_ = 	snop  }
0x6a: {  	[tilespmem:s10], [sflag:$0x2] =	stream.indirect.gather [hbm4b:s1+s7], $0x80, s7, s7, $0xb8;
	[tilespmem:$0x1C400] =	vst v63  }
0x6b: {  	s0 =	rddreg [dreg:$0xc]  }
0x6c: {  	[tilespmem:s11], [sflag:$0x3] =	stream.indirect.gather [hbm4b:s1+s7], $0x80, s0, s7, $0xb8;
	[tilespmem:$0x1C400] =	vst v63  }
0x6d: {  	s14 =	rddreg [dreg:$0xd]  }
0x6e: {  	[tilespmem:s12], [sflag:$0x4] =	stream.indirect.gather [hbm4b:s1+s7], $0x80, s14, s7, $0xb8;
	[tilespmem:$0x1C400] =	vst v63  }
0x6f: {  	s0 =	rddreg [dreg:$0xe]  }
0x70: {  	[tilespmem:s13], [sflag:$0x5] =	stream.indirect.gather [hbm4b:s1+s7], $0x80, s0, s7, $0xb8;
	[tilespmem:$0x1C400] =	vst v63  }
0x71: {  	s14 =	simm.s32 $0x280  }
0x72: {  	[tilespmem:s15], [sflag:$0x6] =	stream.indirect.gather [hbm4b:s1+s7], $0x80, s14, s7, $0xb8;
	[tilespmem:$0x1C400] =	vst v63  }
0x73: {  	_ = 	snop  }
0x74: {  	[tilespmem:s17], [sflag:$0x7] =	stream.indirect.gather [hbm4b:s1+s7], $0x80, s16, s7, $0xb8;
	[tilespmem:$0x1C400] =	vst v63  }
0x75: {  	_ =	swait.ge [sflag:s5], $0x4000  }
0x76: {  	[sflag:s5] =	ssyncset.done $0x0  }
0x77: {  	[sflag:s5] =	ssyncadd.s32 $0xFFFFC000  }
0x78: {  	[hbm4b:s4+s3] =	stream.linear.scatter [tilespmem:s8], [sflag:$0x8], $0x4000, $0x38;
	[tilespmem:$0x1C400] =	vst v63  }
0x79: {  	_ =	swait.ge [sflag:s18], $0x4000  }
0x7a: {  	[sflag:s18] =	ssyncset.done $0x0  }
0x7b: {  	[sflag:s18] =	ssyncadd.s32 $0xFFFFC000  }
0x7c: {  	[tilespmem:s8], [sflag:$0x1] =	stream.indirect.gather [hbm4b:s1+s7], $0x80, s19, s7, $0xb8;
	[tilespmem:$0x1C400] =	vst v63  }
0x7d: {  	_ =	swait.ge [sflag:s20], $0x4000  }
0x7e: {  	[sflag:s20] =	ssyncset.done $0x0  }
0x7f: {  	s14 =	rddreg [dreg:$0x5];
	[sflag:s20] =	ssyncadd.s32 $0xFFFFC000  }
0x80: {  	[hbm4b:s14+s3] =	stream.linear.scatter [tilespmem:s10], [sflag:$0x9], $0x4000, $0x38;
	[tilespmem:$0x1C400] =	vst v63  }
0x81: {  	_ =	swait.ge [sflag:s21], $0x4000  }
0x82: {  	[sflag:s21] =	ssyncset.done $0x0  }
0x83: {  	s14 =	rddreg [dreg:$0x6];
	[sflag:s21] =	ssyncadd.s32 $0xFFFFC000  }
0x84: {  	[hbm4b:s14+s3] =	stream.linear.scatter [tilespmem:s11], [sflag:$0xA], $0x4000, $0x38;
	[tilespmem:$0x1C400] =	vst v63  }
0x85: {  	_ =	swait.ge [sflag:s22], $0x4000  }
0x86: {  	[sflag:s22] =	ssyncset.done $0x0  }
0x87: {  	s14 =	rddreg [dreg:$0x7];
	[sflag:s22] =	ssyncadd.s32 $0xFFFFC000  }
0x88: {  	[hbm4b:s14+s3] =	stream.linear.scatter [tilespmem:s12], [sflag:$0xB], $0x4000, $0x38;
	[tilespmem:$0x1C400] =	vst v63  }
0x89: {  	_ =	swait.ge [sflag:s23], $0x4000  }
0x8a: {  	[sflag:s23] =	ssyncset.done $0x0  }
0x8b: {  	s14 =	rddreg [dreg:$0x8];
	[sflag:s23] =	ssyncadd.s32 $0xFFFFC000  }
0x8c: {  	[hbm4b:s14+s3] =	stream.linear.scatter [tilespmem:s13], [sflag:$0xC], $0x4000, $0x38;
	[tilespmem:$0x1C400] =	vst v63  }
0x8d: {  	_ =	swait.ge [sflag:s24], $0x4000  }
0x8e: {  	[sflag:s24] =	ssyncset.done $0x0  }
0x8f: {  	s14 =	rddreg [dreg:$0x9];
	[sflag:s24] =	ssyncadd.s32 $0xFFFFC000  }
0x90: {  	[hbm4b:s14+s3] =	stream.linear.scatter [tilespmem:s15], [sflag:$0xD], $0x4000, $0x38;
	[tilespmem:$0x1C400] =	vst v63  }
0x91: {  	_ =	swait.ge [sflag:s25], $0x4000  }
0x92: {  	[sflag:s25] =	ssyncset.done $0x0  }
0x93: {  	s14 =	rddreg [dreg:$0xa];
	[sflag:s25] =	ssyncadd.s32 $0xFFFFC000  }
0x94: {  	[hbm4b:s14+s3] =	stream.linear.scatter [tilespmem:s17], [sflag:$0xE], $0x4000, $0x38;
	[tilespmem:$0x1C400] =	vst v63  }
0x95: {  	_ =	swait.ge [sflag:s5], $0x4000  }
0x96: {  	[sflag:s5] =	ssyncset.done $0x0  }
0x97: {  	s14 =	rddreg [dreg:$0xb];
	[sflag:s5] =	ssyncadd.s32 $0xFFFFC000  }
0x98: {  	[hbm4b:s14+s3] =	stream.linear.scatter [tilespmem:s8], [sflag:$0x8], $0x4000, $0x38;
	[tilespmem:$0x1C400] =	vst v63  }
0x99: {  	_ =	swait.ge [sflag:s26], $0x4000  }
0x9a: {  	[sflag:s26] =	ssyncset.done $0x0  }
0x9b: {  	[sflag:s26] =	ssyncadd.s32 $0xFFFFC000  }
0x9c: {  	_ =	swait.ge [sflag:s28], $0x4000  }
0x9d: {  	[sflag:s28] =	ssyncset.done $0x0  }
0x9e: {  	[sflag:s28] =	ssyncadd.s32 $0xFFFFC000  }
0x9f: {  	_ =	swait.ge [sflag:s29], $0x4000  }
0xa0: {  	[sflag:s29] =	ssyncset.done $0x0  }
0xa1: {  	[sflag:s29] =	ssyncadd.s32 $0xFFFFC000  }
0xa2: {  	_ =	swait.ge [sflag:s30], $0x4000  }
0xa3: {  	[sflag:s30] =	ssyncset.done $0x0  }
0xa4: {  	[sflag:s30] =	ssyncadd.s32 $0xFFFFC000  }
0xa5: {  	_ =	swait.ge [sflag:s31], $0x4000  }
0xa6: {  	[sflag:s31] =	ssyncset.done $0x0  }
0xa7: {  	[sflag:s31] =	ssyncadd.s32 $0xFFFFC000  }
0xa8: {  	p0 =	sne.s32 s6, $0x1;
	_ =	swait.ge [sflag:s2], $0x4000  }
.Ltmp0:
0xa9: {  	[sflag:s2] =	ssyncset.done $0x0;
	(pc) =	sbr.rel @p0 .LBB2_1-.Ltmp0, $4  }
0xaa: {  	[sflag:s2] =	ssyncadd.s32 $0xFFFFC000  }
0xab: {  	_ =	swait.ge [sflag:s18], $0x4000  }
0xac: {  	[sflag:s18] =	ssyncset.done $0x0  }
0xad: {  	s6 =	sadd.s32 $0xFFFFFFFF, s6;
	[sflag:s18] =	ssyncadd.s32 $0xFFFFC000  }
0xae: {  	_ =	sfence.sel $0x180000  }
0xaf: {  	[bflag:$0x0] =	sbarrier.arrive $0xFFFF  }
0xb0: {  	_ =	strace $0x90000047  }
0xb1: {  	s0 =	stileid.u32;
	[bflag:$0x2] =	sbarrier.arrive $0xFFFF  }
0xb2: {  	p0 =	sne.s32 s0, $0x0;
	s0 =	rddreg [dreg:$0x3]  }
0xb3: {  	s0 =	sadd.s32 @!p0 $0x100000, s0  }
0xb4: {  	[sflag:s0] =	ssyncadd.tile.s32 @!p0 $0x1;
	_ =	shalt  }
.Lfunc_end2:
_tile_overlayer_lowered:
.L_overlay_start_2:
0xb5: {  	(tag) =	ssettag $0x2  }
0xb6: {  	s0 =	rddreg [dreg:$0x0];
	s2 =	stileid.u32  }
0xb7: {  	s1 =	rddreg [dreg:$0x1];
	p0 =	sne.s32 s2, $0x0  }
0xb8: {  	s3 =	rddreg [dreg:$0x2];
	[bflag:$0x3] =	sbarrier.arrive $0xFFFF;
	s2 =	simm.s32 @!p0 $0x1C0F  }
0xb9: {  	[timem:s3], [sflag:s2] =	dma.local @!p0 [hbm:s0], s1  }
0xba: {  	s0 =	simm.s32 @!p0 $0xF  }
0xbb: {  	_ =	swait.ge @!p0 [sflag:s0], s1  }
0xbc: {  	s1 =	ssub.s32 @!p0 $0x0, s1;
	[sflag:s0] =	ssyncset.done @!p0 $0x0  }
0xbd: {  	[sflag:s0] =	ssyncadd.s32 @!p0 s1  }
0xbe: {  	[bflag:$0x3] =	sbarrier.arrive $0xFFFF  }
0xbf: {  	_ =	shalt  }

</sc_bundles>
